<compile_context>
chip_gen: v7x
topology: tpu7x:2x2x1
jax: 0.10.2.dev20260603
libtpu: 0.0.44.dev20260713+nightly
codegen_flags: <defaults>
</compile_context>

<pallas_src>
import functools

import jax
import jax.numpy as jnp
from jax import lax
from jax.experimental import pallas as pl
from jax.experimental.pallas import tpu as pltpu
from jax.experimental.pallas import tpu_sc as plsc

NUM_CORES = 2
NUM_SUBCORES = 16
NUM_WORKERS = NUM_CORES * NUM_SUBCORES
LANES = 16

TOPK = 5
NEG = float("-inf")


def _sc_body(acts, out, buf, simbuf, sem0, sem1, *, np_, hw, chunk, lanes):
    ng = lanes // LANES
    ch_per_p = hw // chunk
    wid = lax.axis_index("s") * NUM_CORES + lax.axis_index("c")
    base, rem = np_ // NUM_WORKERS, np_ % NUM_WORKERS
    cnt = jnp.where(wid < rem, base + 1, base)
    pstart = wid * base + jnp.minimum(wid, rem)
    sems = (sem0, sem1)
    neg = jnp.full((LANES,), NEG, jnp.float32)

    def chunk_copy(ci, bslot):
        return pltpu.make_async_copy(
            acts.at[pl.ds(ci * chunk, chunk)], buf.at[bslot], sems[bslot])

    first = pstart * ch_per_p
    last = (pstart + cnt) * ch_per_p
    chunk_copy(first, 0).start()

    def p_body(pi, carry):
        acc = tuple(neg for _ in range(TOPK * ng))

        def c2_body(c2, acc):
            for bslot in range(2):
                ci = (pstart + pi) * ch_per_p + c2 * 2 + bslot
                chunk_copy(ci, bslot).wait()

                @pl.when(ci + 1 < last)
                def _():
                    chunk_copy(ci + 1, 1 - bslot).start()

                def make_pos_body(groups, unroll):
                    def pos_body(i, sub):
                        sub = list(sub)
                        for u in range(unroll):
                            for k, g in enumerate(groups):
                                x = buf[bslot, i * unroll + u,
                                        pl.ds(g * LANES, LANES)]
                                v1, v2, v3, v4, v5 = sub[TOPK * k:TOPK * (k + 1)]
                                t1 = jnp.maximum(v1, x); x = jnp.minimum(v1, x); v1 = t1
                                t1 = jnp.maximum(v2, x); x = jnp.minimum(v2, x); v2 = t1
                                t1 = jnp.maximum(v3, x); x = jnp.minimum(v3, x); v3 = t1
                                t1 = jnp.maximum(v4, x); x = jnp.minimum(v4, x); v4 = t1
                                v5 = jnp.maximum(v5, x)
                                sub[TOPK * k:TOPK * (k + 1)] = [v1, v2, v3, v4, v5]
                        return tuple(sub)
                    return pos_body

                half = ng // 2
                acc_a = lax.fori_loop(
                    0, chunk // 2, make_pos_body(range(half), 2),
                    tuple(acc[:TOPK * half]))
                acc_b = lax.fori_loop(
                    0, chunk // 2, make_pos_body(range(half, ng), 2),
                    tuple(acc[TOPK * half:]))
                acc = acc_a + acc_b
            return acc

        acc = lax.fori_loop(0, ch_per_p // 2, c2_body, acc)
        for g in range(ng):
            v1, v2, v3, v4, v5 = acc[TOPK * g:TOPK * (g + 1)]
            simbuf[pl.ds(g * LANES, LANES)] = (
                (v1 + v2 + v3 + v4 + v5) * jnp.float32(1.0 / TOPK))
        pltpu.sync_copy(simbuf, out.at[pstart + pi])
        return carry

    lax.fori_loop(0, cnt, p_body, 0)


def _build_sc(np_, hw, lanes, chunk):
    mesh = plsc.VectorSubcoreMesh(
        core_axis_name="c", subcore_axis_name="s",
        num_cores=NUM_CORES, num_subcores=NUM_SUBCORES)
    return pl.kernel(
        functools.partial(_sc_body, np_=np_, hw=hw, chunk=chunk, lanes=lanes),
        out_type=jax.ShapeDtypeStruct((np_, lanes), jnp.float32),
        mesh=mesh,
        scratch_types=[
            pltpu.VMEM((2, chunk, lanes), jnp.float32),
            pltpu.VMEM((lanes,), jnp.float32),
            pltpu.SemaphoreType.DMA,
            pltpu.SemaphoreType.DMA,
        ],
        compiler_params=pltpu.CompilerParams(
            needs_layout_passes=False, use_tc_tiling_on_sc=True),
    )


def _tc_topk_body(*refs, hw, lanes, slab, nstream):
    x_refs, o_ref = refs[:-1], refs[-1]
    neg = jnp.full((slab, lanes), NEG, jnp.float32)
    rows = hw // nstream

    def slab_body(i, acc):
        v1, v2, v3, v4, v5 = acc
        for r in x_refs:
            x = r[pl.ds(i * slab, slab), :]
            t1 = jnp.maximum(v1, x); x = jnp.minimum(v1, x); v1 = t1
            t1 = jnp.maximum(v2, x); x = jnp.minimum(v2, x); v2 = t1
            t1 = jnp.maximum(v3, x); x = jnp.minimum(v3, x); v3 = t1
            t1 = jnp.maximum(v4, x); x = jnp.minimum(v4, x); v4 = t1
            v5 = jnp.maximum(v5, x)
        return (v1, v2, v3, v4, v5)

    v1, v2, v3, v4, v5 = lax.fori_loop(0, rows // slab, slab_body, (neg,) * TOPK)

    iota = lax.broadcasted_iota(jnp.int32, (slab, lanes), 0)
    s = jnp.zeros((1, lanes), jnp.float32)
    for _ in range(TOPK):
        m = jnp.max(v1, axis=0, keepdims=True)
        s = s + m
        eq = v1 == m
        fs = jnp.min(jnp.where(eq, iota, slab), axis=0, keepdims=True)
        msk = iota == fs
        v1 = jnp.where(msk, v2, v1)
        v2 = jnp.where(msk, v3, v2)
        v3 = jnp.where(msk, v4, v3)
        v4 = jnp.where(msk, v5, v4)
    o_ref[...] = (s * jnp.float32(1.0 / TOPK))[None]


def _build_tc_topk(p0, np_, hw, lanes, slab=32, nstream=2):
    rows = hw // nstream
    specs = [
        pl.BlockSpec((rows, lanes),
                     functools.partial(lambda s, i: (nstream * (i + p0) + s, 0), s))
        for s in range(nstream)
    ]
    return pl.pallas_call(
        functools.partial(_tc_topk_body, hw=hw, lanes=lanes, slab=slab,
                          nstream=nstream),
        grid=(np_,),
        in_specs=specs,
        out_specs=pl.BlockSpec((1, 1, lanes), lambda i: (i, 0, 0)),
        out_shape=jax.ShapeDtypeStruct((np_, 1, lanes), jnp.float32),
    )


def _tc_linear(sim_ref, w_ref, b_ref, o_ref):
    s = sim_ref[...].astype(jnp.bfloat16).astype(jnp.float32)
    w = w_ref[...].astype(jnp.bfloat16).astype(jnp.float32)
    o_ref[...] = jnp.sum(s * w, axis=0, keepdims=True) + b_ref[...]


def kernel(prototype_activations, upsampled_activation, W, b):
    B, P = prototype_activations.shape[0], prototype_activations.shape[1]
    hw = prototype_activations.shape[2] * prototype_activations.shape[3]

    acts = jnp.transpose(prototype_activations, (1, 2, 3, 0)).reshape(P * hw, B)

    sp = NUM_WORKERS if P >= 2 * NUM_WORKERS else P
    sc = _build_sc(sp, hw, B, chunk=128)
    sim_sc = sc(acts)
    if sp < P:
        ns = 8
        sim_tc = _build_tc_topk(sp, P - sp, hw, B, nstream=ns)(
            *([acts] * ns)).reshape(P - sp, B)
        sim = jnp.concatenate([sim_sc, sim_tc], axis=0)
    else:
        sim = sim_sc

    logits_row = pl.pallas_call(
        _tc_linear,
        out_shape=jax.ShapeDtypeStruct((1, B), jnp.float32),
    )(sim, W.reshape(P, 1), b.reshape(1, 1))
    return logits_row.reshape(B, 1)

# --- scband reference (transcript-rebuilt; emitter-appended) ---
"""Pipeline reference for scband-prototype-binary-classification-prediction-head-75849122447597 (READ-ONLY COPY).

The authoritative reference and input builder live on the scoring server;
editing this copy changes nothing except your own understanding.
"""

import jax, jax.numpy as jnp
import numpy as np

NUM_CLASSES = 9
NUM_PROTOTYPES = 90
K_FOR_TOPK = 5
BIAS = -1.0


def _make_params():
    labels = jnp.array([-2.945, -1.945, -1.099, -0.511, 0.0, 0.511, 1.099, 1.948, 2.945], dtype=jnp.float32)
    labels = labels / (NUM_PROTOTYPES / NUM_CLASSES)
    W = jnp.repeat(labels, NUM_PROTOTYPES // NUM_CLASSES)[None, :]  # [1, num_prototypes]
    b = jnp.array([BIAS], dtype=jnp.float32)
    return W, b


def setup_inputs(seed: int = 0) -> dict:
    key = jax.random.key(seed)
    k1, k2 = jax.random.split(key)
    prototype_activations = jax.random.normal(k1, (128, NUM_PROTOTYPES, 64, 64), dtype=jnp.float32)
    upsampled_activation = jax.random.normal(k2, (128, NUM_CLASSES, 64, 64), dtype=jnp.float32)
    W, b = _make_params()
    return {
        "prototype_activations": prototype_activations,
        "upsampled_activation": upsampled_activation,
        "W": W,
        "b": b,
    }


def reference(prototype_activations, upsampled_activation, W, b):
    B, P = prototype_activations.shape[0], prototype_activations.shape[1]
    acts = prototype_activations.reshape(B, P, -1)
    k = min(K_FOR_TOPK, acts.shape[-1])
    topk_vals, _ = jax.lax.top_k(acts, k)
    similarity_score_to_each_prototype = jnp.mean(topk_vals, axis=-1)  # [B, P]
    logits = similarity_score_to_each_prototype @ W.T + b  # [B, 1]
    return logits

if __name__ == "__main__":
    import jax
    _d = setup_inputs()
    print(jax.jit(kernel)(*tuple(_d.values())))

</pallas_src>

<mosaic_0001>
#map = affine_map<(d0, d1) -> (0, 0)>
module attributes {stable_mosaic.version = 14 : i64} {
  func.func @_sc_body(%arg0: i32, %arg1: i32, %arg2: memref<368640x128xf32, #tpu.memory_space<hbm>>, %arg3: memref<32x128xf32, #tpu.memory_space<hbm>>, %arg4: memref<2x128x128xf32, #tpu.memory_space<vmem>>, %arg5: memref<128xf32, #tpu.memory_space<vmem>>, %arg6: memref<!tpu.dma_semaphore, #tpu.memory_space<semaphore_mem>>, %arg7: memref<!tpu.dma_semaphore, #tpu.memory_space<semaphore_mem>>) attributes {dimension_semantics = [#tpu.dimension_semantics<core_parallel>, #tpu.dimension_semantics<subcore_parallel>], iteration_bounds = array<i64: 2, 16>, scalar_prefetch = 0 : i64, scratch_operands = 4 : i64, tpu.core_type = #tpu.core_type<sc_vector_subcore>, window_params = [{transform_indices = #map}, {transform_indices = #map}]} {
    %mul3A = arith.constant 2 : i32
    %mul3A_0 = arith.muli %arg1, %mul3A : i32
    %add3A = arith.addi %mul3A_0, %arg0 : i32
    %lt3A = arith.constant 0 : i32
    %lt3A_1 = arith.cmpi slt, %add3A, %lt3A : i32
    %jit3A = arith.constant 2 : i32
    %jit3A_2 = arith.constant 1 : i32
    %select_n3A = arith.select %lt3A_1, %jit3A, %jit3A_2 : i32
    %mul3A_3 = arith.constant 1 : i32
    %mul3A_4 = arith.muli %add3A, %mul3A_3 : i32
    %min3A = arith.constant 0 : i32
    %min3A_5 = arith.minsi %add3A, %min3A : i32
    %add3A_6 = arith.addi %mul3A_4, %min3A_5 : i32
    %broadcast_in_dim3A = arith.constant 0xFF800000 : f32
    %broadcast_in_dim3A_7 = vector.broadcast %broadcast_in_dim3A : f32 to vector<16xf32>
    %mul3A_8 = arith.constant 32 : i32
    %mul3A_9 = arith.muli %add3A_6, %mul3A_8 : i32
    %add3A_10 = arith.addi %add3A_6, %select_n3A : i32
    %mul3A_11 = arith.constant 32 : i32
    %mul3A_12 = arith.muli %add3A_10, %mul3A_11 : i32
    %mul3A_13 = arith.constant 128 : i32
    %mul3A_14 = arith.muli %mul3A_9, %mul3A_13 : i32
    %dma_start3A = arith.constant 0 : i32
    %dma_start3A_15 = arith.constant 0 : i32
    %dma_start3A_16 = arith.constant 0 : i32
    %dma_start3A_17 = tpu.memref_slice %arg4[%dma_start3A, %dma_start3A_15, %dma_start3A_16] : memref<2x128x128xf32, #tpu.memory_space<vmem>> -> memref<1x128x128xf32, #tpu.memory_space<vmem>>
    %dma_start3A_18 = tpu.memref_squeeze %dma_start3A_17 : memref<1x128x128xf32, #tpu.memory_space<vmem>> -> memref<128x128xf32, #tpu.memory_space<vmem>>
    %dma_start3A_19 = arith.constant 0 : i32
    %dma_start3A_20 = tpu.memref_slice %arg2[%mul3A_14, %dma_start3A_19] : memref<368640x128xf32, #tpu.memory_space<hbm>> -> memref<128x128xf32, #tpu.memory_space<hbm>>
    %dma_start3A_21 = arith.constant 0 : i32
    %dma_start3A_22 = arith.constant 0 : i32
    %dma_start3A_23 = tpu.memref_slice %arg4[%dma_start3A, %dma_start3A_21, %dma_start3A_22] : memref<2x128x128xf32, #tpu.memory_space<vmem>> -> memref<1x128x128xf32, #tpu.memory_space<vmem>>
    %dma_start3A_24 = tpu.memref_squeeze %dma_start3A_23 : memref<1x128x128xf32, #tpu.memory_space<vmem>> -> memref<128x128xf32, #tpu.memory_space<vmem>>
    %dma_start3A_25 = arith.constant 0 : i32
    %dma_start3A_26 = tpu.memref_slice %arg2[%mul3A_14, %dma_start3A_25] : memref<368640x128xf32, #tpu.memory_space<hbm>> -> memref<128x128xf32, #tpu.memory_space<hbm>>
    tpu.enqueue_dma source(%dma_start3A_26 : memref<128x128xf32, #tpu.memory_space<hbm>>) target(%dma_start3A_24 : memref<128x128xf32, #tpu.memory_space<vmem>>) target_semaphore(%arg6 : memref<!tpu.dma_semaphore, #tpu.memory_space<semaphore_mem>>)
    %while3A = arith.constant 0 : i32
    %while3A_27 = arith.constant 0 : i32
    %while3A_28 = arith.subi %select_n3A, %while3A_27 : i32
    %while3A_29 = arith.addi %while3A_27, %while3A_28 : i32
    %while3A_30 = arith.constant 1 : i32
    %while3A_31 = arith.divsi %while3A_28, %while3A_30 : i32
    %while3A_32 = arith.muli %while3A_31, %while3A_30 : i32
    %while3A_33 = arith.addi %while3A_27, %while3A_32 : i32
    %while3A_34 = arith.constant 1 : i32
    scf.for %while3A_36 = %while3A_27 to %while3A_33 step %while3A_34  : i32 {
      %scan3A = arith.constant 0 : i32
      %scan3A_37 = arith.constant 16 : i32
      %scan3A_38 = arith.addi %scan3A, %scan3A_37 : i32
      %scan3A_39 = arith.constant 1 : i32
      %scan3A_40:40 = scf.for %scan3A_114 = %scan3A to %scan3A_38 step %scan3A_39 iter_args(%scan3A_115 = %broadcast_in_dim3A_7, %scan3A_116 = %broadcast_in_dim3A_7, %scan3A_117 = %broadcast_in_dim3A_7, %scan3A_118 = %broadcast_in_dim3A_7, %scan3A_119 = %broadcast_in_dim3A_7, %scan3A_120 = %broadcast_in_dim3A_7, %scan3A_121 = %broadcast_in_dim3A_7, %scan3A_122 = %broadcast_in_dim3A_7, %scan3A_123 = %broadcast_in_dim3A_7, %scan3A_124 = %broadcast_in_dim3A_7, %scan3A_125 = %broadcast_in_dim3A_7, %scan3A_126 = %broadcast_in_dim3A_7, %scan3A_127 = %broadcast_in_dim3A_7, %scan3A_128 = %broadcast_in_dim3A_7, %scan3A_129 = %broadcast_in_dim3A_7, %scan3A_130 = %broadcast_in_dim3A_7, %scan3A_131 = %broadcast_in_dim3A_7, %scan3A_132 = %broadcast_in_dim3A_7, %scan3A_133 = %broadcast_in_dim3A_7, %scan3A_134 = %broadcast_in_dim3A_7, %scan3A_135 = %broadcast_in_dim3A_7, %scan3A_136 = %broadcast_in_dim3A_7, %scan3A_137 = %broadcast_in_dim3A_7, %scan3A_138 = %broadcast_in_dim3A_7, %scan3A_139 = %broadcast_in_dim3A_7, %scan3A_140 = %broadcast_in_dim3A_7, %scan3A_141 = %broadcast_in_dim3A_7, %scan3A_142 = %broadcast_in_dim3A_7, %scan3A_143 = %broadcast_in_dim3A_7, %scan3A_144 = %broadcast_in_dim3A_7, %scan3A_145 = %broadcast_in_dim3A_7, %scan3A_146 = %broadcast_in_dim3A_7, %scan3A_147 = %broadcast_in_dim3A_7, %scan3A_148 = %broadcast_in_dim3A_7, %scan3A_149 = %broadcast_in_dim3A_7, %scan3A_150 = %broadcast_in_dim3A_7, %scan3A_151 = %broadcast_in_dim3A_7, %scan3A_152 = %broadcast_in_dim3A_7, %scan3A_153 = %broadcast_in_dim3A_7, %scan3A_154 = %broadcast_in_dim3A_7) -> (vector<16xf32>, vector<16xf32>, vector<16xf32>, vector<16xf32>, vector<16xf32>, vector<16xf32>, vector<16xf32>, vector<16xf32>, vector<16xf32>, vector<16xf32>, vector<16xf32>, vector<16xf32>, vector<16xf32>, vector<16xf32>, vector<16xf32>, vector<16xf32>, vector<16xf32>, vector<16xf32>, vector<16xf32>, vector<16xf32>, vector<16xf32>, vector<16xf32>, vector<16xf32>, vector<16xf32>, vector<16xf32>, vector<16xf32>, vector<16xf32>, vector<16xf32>, vector<16xf32>, vector<16xf32>, vector<16xf32>, vector<16xf32>, vector<16xf32>, vector<16xf32>, vector<16xf32>, vector<16xf32>, vector<16xf32>, vector<16xf32>, vector<16xf32>, vector<16xf32>)  : i32 {
        %add3A_155 = arith.addi %add3A_6, %while3A_36 : i32
        %mul3A_156 = arith.constant 32 : i32
        %mul3A_157 = arith.muli %add3A_155, %mul3A_156 : i32
        %mul3A_158 = arith.constant 2 : i32
        %mul3A_159 = arith.muli %scan3A_114, %mul3A_158 : i32
        %add3A_160 = arith.addi %mul3A_157, %mul3A_159 : i32
        %add3A_161 = arith.constant 0 : i32
        %add3A_162 = arith.addi %add3A_160, %add3A_161 : i32
        %mul3A_163 = arith.constant 128 : i32
        %mul3A_164 = arith.muli %add3A_162, %mul3A_163 : i32
        %dma_wait3A = arith.constant 0 : i32
        %dma_wait3A_165 = arith.constant 0 : i32
        %dma_wait3A_166 = arith.constant 0 : i32
        %dma_wait3A_167 = tpu.memref_slice %arg4[%dma_wait3A, %dma_wait3A_165, %dma_wait3A_166] : memref<2x128x128xf32, #tpu.memory_space<vmem>> -> memref<1x128x128xf32, #tpu.memory_space<vmem>>
        %dma_wait3A_168 = tpu.memref_squeeze %dma_wait3A_167 : memref<1x128x128xf32, #tpu.memory_space<vmem>> -> memref<128x128xf32, #tpu.memory_space<vmem>>
        %dma_wait3A_169 = arith.constant 0 : i32
        %dma_wait3A_170 = tpu.memref_slice %arg2[%mul3A_164, %dma_wait3A_169] : memref<368640x128xf32, #tpu.memory_space<hbm>> -> memref<128x128xf32, #tpu.memory_space<hbm>>
        %dma_wait3A_171 = arith.constant 0 : i32
        %dma_wait3A_172 = arith.constant 0 : i32
        %dma_wait3A_173 = tpu.memref_slice %arg4[%dma_wait3A, %dma_wait3A_171, %dma_wait3A_172] : memref<2x128x128xf32, #tpu.memory_space<vmem>> -> memref<1x128x128xf32, #tpu.memory_space<vmem>>
        %dma_wait3A_174 = tpu.memref_squeeze %dma_wait3A_173 : memref<1x128x128xf32, #tpu.memory_space<vmem>> -> memref<128x128xf32, #tpu.memory_space<vmem>>
        %dma_wait3A_175 = arith.constant 0 : i32
        %dma_wait3A_176 = tpu.memref_slice %arg2[%mul3A_164, %dma_wait3A_175] : memref<368640x128xf32, #tpu.memory_space<hbm>> -> memref<128x128xf32, #tpu.memory_space<hbm>>
        tpu.wait_dma2 semaphore(%arg6 : memref<!tpu.dma_semaphore, #tpu.memory_space<semaphore_mem>>) src(%dma_wait3A_176 : memref<128x128xf32, #tpu.memory_space<hbm>>) dst(%dma_wait3A_174 : memref<128x128xf32, #tpu.memory_space<vmem>>)
        %add3A_177 = arith.constant 1 : i32
        %add3A_178 = arith.addi %add3A_162, %add3A_177 : i32
        %lt3A_179 = arith.cmpi slt, %add3A_178, %mul3A_12 : i32
        %convert_element_type3A = arith.extui %lt3A_179 : i1 to i32
        %cond3A = arith.constant 0 : i32
        %cond3A_180 = arith.cmpi ne, %convert_element_type3A, %cond3A : i32
        scf.if %cond3A_180 {
          %add3A_234 = arith.constant 1 : i32
          %add3A_235 = arith.addi %add3A_162, %add3A_234 : i32
          %mul3A_236 = arith.constant 128 : i32
          %mul3A_237 = arith.muli %add3A_235, %mul3A_236 : i32
          %dma_start3A_238 = arith.constant 1 : i32
          %dma_start3A_239 = arith.constant 0 : i32
          %dma_start3A_240 = arith.constant 0 : i32
          %dma_start3A_241 = tpu.memref_slice %arg4[%dma_start3A_238, %dma_start3A_239, %dma_start3A_240] : memref<2x128x128xf32, #tpu.memory_space<vmem>> -> memref<1x128x128xf32, #tpu.memory_space<vmem>>
          %dma_start3A_242 = tpu.memref_squeeze %dma_start3A_241 : memref<1x128x128xf32, #tpu.memory_space<vmem>> -> memref<128x128xf32, #tpu.memory_space<vmem>>
          %dma_start3A_243 = arith.constant 0 : i32
          %dma_start3A_244 = tpu.memref_slice %arg2[%mul3A_237, %dma_start3A_243] : memref<368640x128xf32, #tpu.memory_space<hbm>> -> memref<128x128xf32, #tpu.memory_space<hbm>>
          %dma_start3A_245 = arith.constant 0 : i32
          %dma_start3A_246 = arith.constant 0 : i32
          %dma_start3A_247 = tpu.memref_slice %arg4[%dma_start3A_238, %dma_start3A_245, %dma_start3A_246] : memref<2x128x128xf32, #tpu.memory_space<vmem>> -> memref<1x128x128xf32, #tpu.memory_space<vmem>>
          %dma_start3A_248 = tpu.memref_squeeze %dma_start3A_247 : memref<1x128x128xf32, #tpu.memory_space<vmem>> -> memref<128x128xf32, #tpu.memory_space<vmem>>
          %dma_start3A_249 = arith.constant 0 : i32
          %dma_start3A_250 = tpu.memref_slice %arg2[%mul3A_237, %dma_start3A_249] : memref<368640x128xf32, #tpu.memory_space<hbm>> -> memref<128x128xf32, #tpu.memory_space<hbm>>
          tpu.enqueue_dma source(%dma_start3A_250 : memref<128x128xf32, #tpu.memory_space<hbm>>) target(%dma_start3A_248 : memref<128x128xf32, #tpu.memory_space<vmem>>) target_semaphore(%arg7 : memref<!tpu.dma_semaphore, #tpu.memory_space<semaphore_mem>>)
        } else {
        }
        %scan3A_181 = arith.constant 0 : i32
        %scan3A_182 = arith.constant 64 : i32
        %scan3A_183 = arith.addi %scan3A_181, %scan3A_182 : i32
        %scan3A_184 = arith.constant 1 : i32
        %scan3A_185:20 = scf.for %scan3A_234 = %scan3A_181 to %scan3A_183 step %scan3A_184 iter_args(%scan3A_235 = %scan3A_115, %scan3A_236 = %scan3A_116, %scan3A_237 = %scan3A_117, %scan3A_238 = %scan3A_118, %scan3A_239 = %scan3A_119, %scan3A_240 = %scan3A_120, %scan3A_241 = %scan3A_121, %scan3A_242 = %scan3A_122, %scan3A_243 = %scan3A_123, %scan3A_244 = %scan3A_124, %scan3A_245 = %scan3A_125, %scan3A_246 = %scan3A_126, %scan3A_247 = %scan3A_127, %scan3A_248 = %scan3A_128, %scan3A_249 = %scan3A_129, %scan3A_250 = %scan3A_130, %scan3A_251 = %scan3A_131, %scan3A_252 = %scan3A_132, %scan3A_253 = %scan3A_133, %scan3A_254 = %scan3A_134) -> (vector<16xf32>, vector<16xf32>, vector<16xf32>, vector<16xf32>, vector<16xf32>, vector<16xf32>, vector<16xf32>, vector<16xf32>, vector<16xf32>, vector<16xf32>, vector<16xf32>, vector<16xf32>, vector<16xf32>, vector<16xf32>, vector<16xf32>, vector<16xf32>, vector<16xf32>, vector<16xf32>, vector<16xf32>, vector<16xf32>)  : i32 {
          %mul3A_255 = arith.constant 2 : i32
          %mul3A_256 = arith.muli %scan3A_234, %mul3A_255 : i32
          %add3A_257 = arith.constant 0 : i32
          %add3A_258 = arith.addi %mul3A_256, %add3A_257 : i32
          %get3A = arith.constant 0 : i32
          %get3A_259 = arith.index_cast %get3A : i32 to index
          %get3A_260 = arith.index_cast %add3A_258 : i32 to index
          %get3A_261 = arith.constant 0 : index
          %get3A_262 = tpu.vector_load %arg4[%get3A_259, %get3A_260, %get3A_261] {strides = array<i32>} : memref<2x128x128xf32, #tpu.memory_space<vmem>>, vector<16xf32>,
          %max3A = arith.maximumf %scan3A_235, %get3A_262 : vector<16xf32>
          %min3A_263 = arith.minimumf %scan3A_235, %get3A_262 : vector<16xf32>
          %max3A_264 = arith.maximumf %scan3A_236, %min3A_263 : vector<16xf32>
          %min3A_265 = arith.minimumf %scan3A_236, %min3A_263 : vector<16xf32>
          %max3A_266 = arith.maximumf %scan3A_237, %min3A_265 : vector<16xf32>
          %min3A_267 = arith.minimumf %scan3A_237, %min3A_265 : vector<16xf32>
          %max3A_268 = arith.maximumf %scan3A_238, %min3A_267 : vector<16xf32>
          %min3A_269 = arith.minimumf %scan3A_238, %min3A_267 : vector<16xf32>
          %max3A_270 = arith.maximumf %scan3A_239, %min3A_269 : vector<16xf32>
          %mul3A_271 = arith.constant 2 : i32
          %mul3A_272 = arith.muli %scan3A_234, %mul3A_271 : i32
          %add3A_273 = arith.constant 0 : i32
          %add3A_274 = arith.addi %mul3A_272, %add3A_273 : i32
          %get3A_275 = arith.constant 0 : i32
          %get3A_276 = arith.index_cast %get3A_275 : i32 to index
          %get3A_277 = arith.index_cast %add3A_274 : i32 to index
          %get3A_278 = arith.constant 16 : index
          %get3A_279 = tpu.vector_load %arg4[%get3A_276, %get3A_277, %get3A_278] {strides = array<i32>} : memref<2x128x128xf32, #tpu.memory_space<vmem>>, vector<16xf32>,
          %max3A_280 = arith.maximumf %scan3A_240, %get3A_279 : vector<16xf32>
          %min3A_281 = arith.minimumf %scan3A_240, %get3A_279 : vector<16xf32>
          %max3A_282 = arith.maximumf %scan3A_241, %min3A_281 : vector<16xf32>
          %min3A_283 = arith.minimumf %scan3A_241, %min3A_281 : vector<16xf32>
          %max3A_284 = arith.maximumf %scan3A_242, %min3A_283 : vector<16xf32>
          %min3A_285 = arith.minimumf %scan3A_242, %min3A_283 : vector<16xf32>
          %max3A_286 = arith.maximumf %scan3A_243, %min3A_285 : vector<16xf32>
          %min3A_287 = arith.minimumf %scan3A_243, %min3A_285 : vector<16xf32>
          %max3A_288 = arith.maximumf %scan3A_244, %min3A_287 : vector<16xf32>
          %mul3A_289 = arith.constant 2 : i32
          %mul3A_290 = arith.muli %scan3A_234, %mul3A_289 : i32
          %add3A_291 = arith.constant 0 : i32
          %add3A_292 = arith.addi %mul3A_290, %add3A_291 : i32
          %get3A_293 = arith.constant 0 : i32
          %get3A_294 = arith.index_cast %get3A_293 : i32 to index
          %get3A_295 = arith.index_cast %add3A_292 : i32 to index
          %get3A_296 = arith.constant 32 : index
          %get3A_297 = tpu.vector_load %arg4[%get3A_294, %get3A_295, %get3A_296] {strides = array<i32>} : memref<2x128x128xf32, #tpu.memory_space<vmem>>, vector<16xf32>,
          %max3A_298 = arith.maximumf %scan3A_245, %get3A_297 : vector<16xf32>
          %min3A_299 = arith.minimumf %scan3A_245, %get3A_297 : vector<16xf32>
          %max3A_300 = arith.maximumf %scan3A_246, %min3A_299 : vector<16xf32>
          %min3A_301 = arith.minimumf %scan3A_246, %min3A_299 : vector<16xf32>
          %max3A_302 = arith.maximumf %scan3A_247, %min3A_301 : vector<16xf32>
          %min3A_303 = arith.minimumf %scan3A_247, %min3A_301 : vector<16xf32>
          %max3A_304 = arith.maximumf %scan3A_248, %min3A_303 : vector<16xf32>
          %min3A_305 = arith.minimumf %scan3A_248, %min3A_303 : vector<16xf32>
          %max3A_306 = arith.maximumf %scan3A_249, %min3A_305 : vector<16xf32>
          %mul3A_307 = arith.constant 2 : i32
          %mul3A_308 = arith.muli %scan3A_234, %mul3A_307 : i32
          %add3A_309 = arith.constant 0 : i32
          %add3A_310 = arith.addi %mul3A_308, %add3A_309 : i32
          %get3A_311 = arith.constant 0 : i32
          %get3A_312 = arith.index_cast %get3A_311 : i32 to index
          %get3A_313 = arith.index_cast %add3A_310 : i32 to index
          %get3A_314 = arith.constant 48 : index
          %get3A_315 = tpu.vector_load %arg4[%get3A_312, %get3A_313, %get3A_314] {strides = array<i32>} : memref<2x128x128xf32, #tpu.memory_space<vmem>>, vector<16xf32>,
          %max3A_316 = arith.maximumf %scan3A_250, %get3A_315 : vector<16xf32>
          %min3A_317 = arith.minimumf %scan3A_250, %get3A_315 : vector<16xf32>
          %max3A_318 = arith.maximumf %scan3A_251, %min3A_317 : vector<16xf32>
          %min3A_319 = arith.minimumf %scan3A_251, %min3A_317 : vector<16xf32>
          %max3A_320 = arith.maximumf %scan3A_252, %min3A_319 : vector<16xf32>
          %min3A_321 = arith.minimumf %scan3A_252, %min3A_319 : vector<16xf32>
          %max3A_322 = arith.maximumf %scan3A_253, %min3A_321 : vector<16xf32>
          %min3A_323 = arith.minimumf %scan3A_253, %min3A_321 : vector<16xf32>
          %max3A_324 = arith.maximumf %scan3A_254, %min3A_323 : vector<16xf32>
          %mul3A_325 = arith.constant 2 : i32
          %mul3A_326 = arith.muli %scan3A_234, %mul3A_325 : i32
          %add3A_327 = arith.constant 1 : i32
          %add3A_328 = arith.addi %mul3A_326, %add3A_327 : i32
          %get3A_329 = arith.constant 0 : i32
          %get3A_330 = arith.index_cast %get3A_329 : i32 to index
          %get3A_331 = arith.index_cast %add3A_328 : i32 to index
          %get3A_332 = arith.constant 0 : index
          %get3A_333 = tpu.vector_load %arg4[%get3A_330, %get3A_331, %get3A_332] {strides = array<i32>} : memref<2x128x128xf32, #tpu.memory_space<vmem>>, vector<16xf32>,
          %max3A_334 = arith.maximumf %max3A, %get3A_333 : vector<16xf32>
          %min3A_335 = arith.minimumf %max3A, %get3A_333 : vector<16xf32>
          %max3A_336 = arith.maximumf %max3A_264, %min3A_335 : vector<16xf32>
          %min3A_337 = arith.minimumf %max3A_264, %min3A_335 : vector<16xf32>
          %max3A_338 = arith.maximumf %max3A_266, %min3A_337 : vector<16xf32>
          %min3A_339 = arith.minimumf %max3A_266, %min3A_337 : vector<16xf32>
          %max3A_340 = arith.maximumf %max3A_268, %min3A_339 : vector<16xf32>
          %min3A_341 = arith.minimumf %max3A_268, %min3A_339 : vector<16xf32>
          %max3A_342 = arith.maximumf %max3A_270, %min3A_341 : vector<16xf32>
          %mul3A_343 = arith.constant 2 : i32
          %mul3A_344 = arith.muli %scan3A_234, %mul3A_343 : i32
          %add3A_345 = arith.constant 1 : i32
          %add3A_346 = arith.addi %mul3A_344, %add3A_345 : i32
          %get3A_347 = arith.constant 0 : i32
          %get3A_348 = arith.index_cast %get3A_347 : i32 to index
          %get3A_349 = arith.index_cast %add3A_346 : i32 to index
          %get3A_350 = arith.constant 16 : index
          %get3A_351 = tpu.vector_load %arg4[%get3A_348, %get3A_349, %get3A_350] {strides = array<i32>} : memref<2x128x128xf32, #tpu.memory_space<vmem>>, vector<16xf32>,
          %max3A_352 = arith.maximumf %max3A_280, %get3A_351 : vector<16xf32>
          %min3A_353 = arith.minimumf %max3A_280, %get3A_351 : vector<16xf32>
          %max3A_354 = arith.maximumf %max3A_282, %min3A_353 : vector<16xf32>
          %min3A_355 = arith.minimumf %max3A_282, %min3A_353 : vector<16xf32>
          %max3A_356 = arith.maximumf %max3A_284, %min3A_355 : vector<16xf32>
          %min3A_357 = arith.minimumf %max3A_284, %min3A_355 : vector<16xf32>
          %max3A_358 = arith.maximumf %max3A_286, %min3A_357 : vector<16xf32>
          %min3A_359 = arith.minimumf %max3A_286, %min3A_357 : vector<16xf32>
          %max3A_360 = arith.maximumf %max3A_288, %min3A_359 : vector<16xf32>
          %mul3A_361 = arith.constant 2 : i32
          %mul3A_362 = arith.muli %scan3A_234, %mul3A_361 : i32
          %add3A_363 = arith.constant 1 : i32
          %add3A_364 = arith.addi %mul3A_362, %add3A_363 : i32
          %get3A_365 = arith.constant 0 : i32
          %get3A_366 = arith.index_cast %get3A_365 : i32 to index
          %get3A_367 = arith.index_cast %add3A_364 : i32 to index
          %get3A_368 = arith.constant 32 : index
          %get3A_369 = tpu.vector_load %arg4[%get3A_366, %get3A_367, %get3A_368] {strides = array<i32>} : memref<2x128x128xf32, #tpu.memory_space<vmem>>, vector<16xf32>,
          %max3A_370 = arith.maximumf %max3A_298, %get3A_369 : vector<16xf32>
          %min3A_371 = arith.minimumf %max3A_298, %get3A_369 : vector<16xf32>
          %max3A_372 = arith.maximumf %max3A_300, %min3A_371 : vector<16xf32>
          %min3A_373 = arith.minimumf %max3A_300, %min3A_371 : vector<16xf32>
          %max3A_374 = arith.maximumf %max3A_302, %min3A_373 : vector<16xf32>
          %min3A_375 = arith.minimumf %max3A_302, %min3A_373 : vector<16xf32>
          %max3A_376 = arith.maximumf %max3A_304, %min3A_375 : vector<16xf32>
          %min3A_377 = arith.minimumf %max3A_304, %min3A_375 : vector<16xf32>
          %max3A_378 = arith.maximumf %max3A_306, %min3A_377 : vector<16xf32>
          %mul3A_379 = arith.constant 2 : i32
          %mul3A_380 = arith.muli %scan3A_234, %mul3A_379 : i32
          %add3A_381 = arith.constant 1 : i32
          %add3A_382 = arith.addi %mul3A_380, %add3A_381 : i32
          %get3A_383 = arith.constant 0 : i32
          %get3A_384 = arith.index_cast %get3A_383 : i32 to index
          %get3A_385 = arith.index_cast %add3A_382 : i32 to index
          %get3A_386 = arith.constant 48 : index
          %get3A_387 = tpu.vector_load %arg4[%get3A_384, %get3A_385, %get3A_386] {strides = array<i32>} : memref<2x128x128xf32, #tpu.memory_space<vmem>>, vector<16xf32>,
          %max3A_388 = arith.maximumf %max3A_316, %get3A_387 : vector<16xf32>
          %min3A_389 = arith.minimumf %max3A_316, %get3A_387 : vector<16xf32>
          %max3A_390 = arith.maximumf %max3A_318, %min3A_389 : vector<16xf32>
          %min3A_391 = arith.minimumf %max3A_318, %min3A_389 : vector<16xf32>
          %max3A_392 = arith.maximumf %max3A_320, %min3A_391 : vector<16xf32>
          %min3A_393 = arith.minimumf %max3A_320, %min3A_391 : vector<16xf32>
          %max3A_394 = arith.maximumf %max3A_322, %min3A_393 : vector<16xf32>
          %min3A_395 = arith.minimumf %max3A_322, %min3A_393 : vector<16xf32>
          %max3A_396 = arith.maximumf %max3A_324, %min3A_395 : vector<16xf32>
          scf.yield %max3A_334, %max3A_336, %max3A_338, %max3A_340, %max3A_342, %max3A_352, %max3A_354, %max3A_356, %max3A_358, %max3A_360, %max3A_370, %max3A_372, %max3A_374, %max3A_376, %max3A_378, %max3A_388, %max3A_390, %max3A_392, %max3A_394, %max3A_396 : vector<16xf32>, vector<16xf32>, vector<16xf32>, vector<16xf32>, vector<16xf32>, vector<16xf32>, vector<16xf32>, vector<16xf32>, vector<16xf32>, vector<16xf32>, vector<16xf32>, vector<16xf32>, vector<16xf32>, vector<16xf32>, vector<16xf32>, vector<16xf32>, vector<16xf32>, vector<16xf32>, vector<16xf32>, vector<16xf32>
        }
        %scan3A_186 = arith.constant 64 : i32
        %scan3A_187 = arith.constant 0 : i32
        %scan3A_188 = arith.constant 64 : i32
        %scan3A_189 = arith.addi %scan3A_187, %scan3A_188 : i32
        %scan3A_190 = arith.constant 1 : i32
        %scan3A_191:20 = scf.for %scan3A_234 = %scan3A_187 to %scan3A_189 step %scan3A_190 iter_args(%scan3A_235 = %scan3A_135, %scan3A_236 = %scan3A_136, %scan3A_237 = %scan3A_137, %scan3A_238 = %scan3A_138, %scan3A_239 = %scan3A_139, %scan3A_240 = %scan3A_140, %scan3A_241 = %scan3A_141, %scan3A_242 = %scan3A_142, %scan3A_243 = %scan3A_143, %scan3A_244 = %scan3A_144, %scan3A_245 = %scan3A_145, %scan3A_246 = %scan3A_146, %scan3A_247 = %scan3A_147, %scan3A_248 = %scan3A_148, %scan3A_249 = %scan3A_149, %scan3A_250 = %scan3A_150, %scan3A_251 = %scan3A_151, %scan3A_252 = %scan3A_152, %scan3A_253 = %scan3A_153, %scan3A_254 = %scan3A_154) -> (vector<16xf32>, vector<16xf32>, vector<16xf32>, vector<16xf32>, vector<16xf32>, vector<16xf32>, vector<16xf32>, vector<16xf32>, vector<16xf32>, vector<16xf32>, vector<16xf32>, vector<16xf32>, vector<16xf32>, vector<16xf32>, vector<16xf32>, vector<16xf32>, vector<16xf32>, vector<16xf32>, vector<16xf32>, vector<16xf32>)  : i32 {
          %mul3A_255 = arith.constant 2 : i32
          %mul3A_256 = arith.muli %scan3A_234, %mul3A_255 : i32
          %add3A_257 = arith.constant 0 : i32
          %add3A_258 = arith.addi %mul3A_256, %add3A_257 : i32
          %get3A = arith.constant 0 : i32
          %get3A_259 = arith.index_cast %get3A : i32 to index
          %get3A_260 = arith.index_cast %add3A_258 : i32 to index
          %get3A_261 = arith.constant 64 : index
          %get3A_262 = tpu.vector_load %arg4[%get3A_259, %get3A_260, %get3A_261] {strides = array<i32>} : memref<2x128x128xf32, #tpu.memory_space<vmem>>, vector<16xf32>,
          %max3A = arith.maximumf %scan3A_235, %get3A_262 : vector<16xf32>
          %min3A_263 = arith.minimumf %scan3A_235, %get3A_262 : vector<16xf32>
          %max3A_264 = arith.maximumf %scan3A_236, %min3A_263 : vector<16xf32>
          %min3A_265 = arith.minimumf %scan3A_236, %min3A_263 : vector<16xf32>
          %max3A_266 = arith.maximumf %scan3A_237, %min3A_265 : vector<16xf32>
          %min3A_267 = arith.minimumf %scan3A_237, %min3A_265 : vector<16xf32>
          %max3A_268 = arith.maximumf %scan3A_238, %min3A_267 : vector<16xf32>
          %min3A_269 = arith.minimumf %scan3A_238, %min3A_267 : vector<16xf32>
          %max3A_270 = arith.maximumf %scan3A_239, %min3A_269 : vector<16xf32>
          %mul3A_271 = arith.constant 2 : i32
          %mul3A_272 = arith.muli %scan3A_234, %mul3A_271 : i32
          %add3A_273 = arith.constant 0 : i32
          %add3A_274 = arith.addi %mul3A_272, %add3A_273 : i32
          %get3A_275 = arith.constant 0 : i32
          %get3A_276 = arith.index_cast %get3A_275 : i32 to index
          %get3A_277 = arith.index_cast %add3A_274 : i32 to index
          %get3A_278 = arith.constant 80 : index
          %get3A_279 = tpu.vector_load %arg4[%get3A_276, %get3A_277, %get3A_278] {strides = array<i32>} : memref<2x128x128xf32, #tpu.memory_space<vmem>>, vector<16xf32>,
          %max3A_280 = arith.maximumf %scan3A_240, %get3A_279 : vector<16xf32>
          %min3A_281 = arith.minimumf %scan3A_240, %get3A_279 : vector<16xf32>
          %max3A_282 = arith.maximumf %scan3A_241, %min3A_281 : vector<16xf32>
          %min3A_283 = arith.minimumf %scan3A_241, %min3A_281 : vector<16xf32>
          %max3A_284 = arith.maximumf %scan3A_242, %min3A_283 : vector<16xf32>
          %min3A_285 = arith.minimumf %scan3A_242, %min3A_283 : vector<16xf32>
          %max3A_286 = arith.maximumf %scan3A_243, %min3A_285 : vector<16xf32>
          %min3A_287 = arith.minimumf %scan3A_243, %min3A_285 : vector<16xf32>
          %max3A_288 = arith.maximumf %scan3A_244, %min3A_287 : vector<16xf32>
          %mul3A_289 = arith.constant 2 : i32
          %mul3A_290 = arith.muli %scan3A_234, %mul3A_289 : i32
          %add3A_291 = arith.constant 0 : i32
          %add3A_292 = arith.addi %mul3A_290, %add3A_291 : i32
          %get3A_293 = arith.constant 0 : i32
          %get3A_294 = arith.index_cast %get3A_293 : i32 to index
          %get3A_295 = arith.index_cast %add3A_292 : i32 to index
          %get3A_296 = arith.constant 96 : index
          %get3A_297 = tpu.vector_load %arg4[%get3A_294, %get3A_295, %get3A_296] {strides = array<i32>} : memref<2x128x128xf32, #tpu.memory_space<vmem>>, vector<16xf32>,
          %max3A_298 = arith.maximumf %scan3A_245, %get3A_297 : vector<16xf32>
          %min3A_299 = arith.minimumf %scan3A_245, %get3A_297 : vector<16xf32>
          %max3A_300 = arith.maximumf %scan3A_246, %min3A_299 : vector<16xf32>
          %min3A_301 = arith.minimumf %scan3A_246, %min3A_299 : vector<16xf32>
          %max3A_302 = arith.maximumf %scan3A_247, %min3A_301 : vector<16xf32>
          %min3A_303 = arith.minimumf %scan3A_247, %min3A_301 : vector<16xf32>
          %max3A_304 = arith.maximumf %scan3A_248, %min3A_303 : vector<16xf32>
          %min3A_305 = arith.minimumf %scan3A_248, %min3A_303 : vector<16xf32>
          %max3A_306 = arith.maximumf %scan3A_249, %min3A_305 : vector<16xf32>
          %mul3A_307 = arith.constant 2 : i32
          %mul3A_308 = arith.muli %scan3A_234, %mul3A_307 : i32
          %add3A_309 = arith.constant 0 : i32
          %add3A_310 = arith.addi %mul3A_308, %add3A_309 : i32
          %get3A_311 = arith.constant 0 : i32
          %get3A_312 = arith.index_cast %get3A_311 : i32 to index
          %get3A_313 = arith.index_cast %add3A_310 : i32 to index
          %get3A_314 = arith.constant 112 : index
          %get3A_315 = tpu.vector_load %arg4[%get3A_312, %get3A_313, %get3A_314] {strides = array<i32>} : memref<2x128x128xf32, #tpu.memory_space<vmem>>, vector<16xf32>,
          %max3A_316 = arith.maximumf %scan3A_250, %get3A_315 : vector<16xf32>
          %min3A_317 = arith.minimumf %scan3A_250, %get3A_315 : vector<16xf32>
          %max3A_318 = arith.maximumf %scan3A_251, %min3A_317 : vector<16xf32>
          %min3A_319 = arith.minimumf %scan3A_251, %min3A_317 : vector<16xf32>
          %max3A_320 = arith.maximumf %scan3A_252, %min3A_319 : vector<16xf32>
          %min3A_321 = arith.minimumf %scan3A_252, %min3A_319 : vector<16xf32>
          %max3A_322 = arith.maximumf %scan3A_253, %min3A_321 : vector<16xf32>
          %min3A_323 = arith.minimumf %scan3A_253, %min3A_321 : vector<16xf32>
          %max3A_324 = arith.maximumf %scan3A_254, %min3A_323 : vector<16xf32>
          %mul3A_325 = arith.constant 2 : i32
          %mul3A_326 = arith.muli %scan3A_234, %mul3A_325 : i32
          %add3A_327 = arith.constant 1 : i32
          %add3A_328 = arith.addi %mul3A_326, %add3A_327 : i32
          %get3A_329 = arith.constant 0 : i32
          %get3A_330 = arith.index_cast %get3A_329 : i32 to index
          %get3A_331 = arith.index_cast %add3A_328 : i32 to index
          %get3A_332 = arith.constant 64 : index
          %get3A_333 = tpu.vector_load %arg4[%get3A_330, %get3A_331, %get3A_332] {strides = array<i32>} : memref<2x128x128xf32, #tpu.memory_space<vmem>>, vector<16xf32>,
          %max3A_334 = arith.maximumf %max3A, %get3A_333 : vector<16xf32>
          %min3A_335 = arith.minimumf %max3A, %get3A_333 : vector<16xf32>
          %max3A_336 = arith.maximumf %max3A_264, %min3A_335 : vector<16xf32>
          %min3A_337 = arith.minimumf %max3A_264, %min3A_335 : vector<16xf32>
          %max3A_338 = arith.maximumf %max3A_266, %min3A_337 : vector<16xf32>
          %min3A_339 = arith.minimumf %max3A_266, %min3A_337 : vector<16xf32>
          %max3A_340 = arith.maximumf %max3A_268, %min3A_339 : vector<16xf32>
          %min3A_341 = arith.minimumf %max3A_268, %min3A_339 : vector<16xf32>
          %max3A_342 = arith.maximumf %max3A_270, %min3A_341 : vector<16xf32>
          %mul3A_343 = arith.constant 2 : i32
          %mul3A_344 = arith.muli %scan3A_234, %mul3A_343 : i32
          %add3A_345 = arith.constant 1 : i32
          %add3A_346 = arith.addi %mul3A_344, %add3A_345 : i32
          %get3A_347 = arith.constant 0 : i32
          %get3A_348 = arith.index_cast %get3A_347 : i32 to index
          %get3A_349 = arith.index_cast %add3A_346 : i32 to index
          %get3A_350 = arith.constant 80 : index
          %get3A_351 = tpu.vector_load %arg4[%get3A_348, %get3A_349, %get3A_350] {strides = array<i32>} : memref<2x128x128xf32, #tpu.memory_space<vmem>>, vector<16xf32>,
          %max3A_352 = arith.maximumf %max3A_280, %get3A_351 : vector<16xf32>
          %min3A_353 = arith.minimumf %max3A_280, %get3A_351 : vector<16xf32>
          %max3A_354 = arith.maximumf %max3A_282, %min3A_353 : vector<16xf32>
          %min3A_355 = arith.minimumf %max3A_282, %min3A_353 : vector<16xf32>
          %max3A_356 = arith.maximumf %max3A_284, %min3A_355 : vector<16xf32>
          %min3A_357 = arith.minimumf %max3A_284, %min3A_355 : vector<16xf32>
          %max3A_358 = arith.maximumf %max3A_286, %min3A_357 : vector<16xf32>
          %min3A_359 = arith.minimumf %max3A_286, %min3A_357 : vector<16xf32>
          %max3A_360 = arith.maximumf %max3A_288, %min3A_359 : vector<16xf32>
          %mul3A_361 = arith.constant 2 : i32
          %mul3A_362 = arith.muli %scan3A_234, %mul3A_361 : i32
          %add3A_363 = arith.constant 1 : i32
          %add3A_364 = arith.addi %mul3A_362, %add3A_363 : i32
          %get3A_365 = arith.constant 0 : i32
          %get3A_366 = arith.index_cast %get3A_365 : i32 to index
          %get3A_367 = arith.index_cast %add3A_364 : i32 to index
          %get3A_368 = arith.constant 96 : index
          %get3A_369 = tpu.vector_load %arg4[%get3A_366, %get3A_367, %get3A_368] {strides = array<i32>} : memref<2x128x128xf32, #tpu.memory_space<vmem>>, vector<16xf32>,
          %max3A_370 = arith.maximumf %max3A_298, %get3A_369 : vector<16xf32>
          %min3A_371 = arith.minimumf %max3A_298, %get3A_369 : vector<16xf32>
          %max3A_372 = arith.maximumf %max3A_300, %min3A_371 : vector<16xf32>
          %min3A_373 = arith.minimumf %max3A_300, %min3A_371 : vector<16xf32>
          %max3A_374 = arith.maximumf %max3A_302, %min3A_373 : vector<16xf32>
          %min3A_375 = arith.minimumf %max3A_302, %min3A_373 : vector<16xf32>
          %max3A_376 = arith.maximumf %max3A_304, %min3A_375 : vector<16xf32>
          %min3A_377 = arith.minimumf %max3A_304, %min3A_375 : vector<16xf32>
          %max3A_378 = arith.maximumf %max3A_306, %min3A_377 : vector<16xf32>
          %mul3A_379 = arith.constant 2 : i32
          %mul3A_380 = arith.muli %scan3A_234, %mul3A_379 : i32
          %add3A_381 = arith.constant 1 : i32
          %add3A_382 = arith.addi %mul3A_380, %add3A_381 : i32
          %get3A_383 = arith.constant 0 : i32
          %get3A_384 = arith.index_cast %get3A_383 : i32 to index
          %get3A_385 = arith.index_cast %add3A_382 : i32 to index
          %get3A_386 = arith.constant 112 : index
          %get3A_387 = tpu.vector_load %arg4[%get3A_384, %get3A_385, %get3A_386] {strides = array<i32>} : memref<2x128x128xf32, #tpu.memory_space<vmem>>, vector<16xf32>,
          %max3A_388 = arith.maximumf %max3A_316, %get3A_387 : vector<16xf32>
          %min3A_389 = arith.minimumf %max3A_316, %get3A_387 : vector<16xf32>
          %max3A_390 = arith.maximumf %max3A_318, %min3A_389 : vector<16xf32>
          %min3A_391 = arith.minimumf %max3A_318, %min3A_389 : vector<16xf32>
          %max3A_392 = arith.maximumf %max3A_320, %min3A_391 : vector<16xf32>
          %min3A_393 = arith.minimumf %max3A_320, %min3A_391 : vector<16xf32>
          %max3A_394 = arith.maximumf %max3A_322, %min3A_393 : vector<16xf32>
          %min3A_395 = arith.minimumf %max3A_322, %min3A_393 : vector<16xf32>
          %max3A_396 = arith.maximumf %max3A_324, %min3A_395 : vector<16xf32>
          scf.yield %max3A_334, %max3A_336, %max3A_338, %max3A_340, %max3A_342, %max3A_352, %max3A_354, %max3A_356, %max3A_358, %max3A_360, %max3A_370, %max3A_372, %max3A_374, %max3A_376, %max3A_378, %max3A_388, %max3A_390, %max3A_392, %max3A_394, %max3A_396 : vector<16xf32>, vector<16xf32>, vector<16xf32>, vector<16xf32>, vector<16xf32>, vector<16xf32>, vector<16xf32>, vector<16xf32>, vector<16xf32>, vector<16xf32>, vector<16xf32>, vector<16xf32>, vector<16xf32>, vector<16xf32>, vector<16xf32>, vector<16xf32>, vector<16xf32>, vector<16xf32>, vector<16xf32>, vector<16xf32>
        }
        %scan3A_192 = arith.constant 64 : i32
        %add3A_193 = arith.addi %add3A_6, %while3A_36 : i32
        %mul3A_194 = arith.constant 32 : i32
        %mul3A_195 = arith.muli %add3A_193, %mul3A_194 : i32
        %mul3A_196 = arith.constant 2 : i32
        %mul3A_197 = arith.muli %scan3A_114, %mul3A_196 : i32
        %add3A_198 = arith.addi %mul3A_195, %mul3A_197 : i32
        %add3A_199 = arith.constant 1 : i32
        %add3A_200 = arith.addi %add3A_198, %add3A_199 : i32
        %mul3A_201 = arith.constant 128 : i32
        %mul3A_202 = arith.muli %add3A_200, %mul3A_201 : i32
        %dma_wait3A_203 = arith.constant 1 : i32
        %dma_wait3A_204 = arith.constant 0 : i32
        %dma_wait3A_205 = arith.constant 0 : i32
        %dma_wait3A_206 = tpu.memref_slice %arg4[%dma_wait3A_203, %dma_wait3A_204, %dma_wait3A_205] : memref<2x128x128xf32, #tpu.memory_space<vmem>> -> memref<1x128x128xf32, #tpu.memory_space<vmem>>
        %dma_wait3A_207 = tpu.memref_squeeze %dma_wait3A_206 : memref<1x128x128xf32, #tpu.memory_space<vmem>> -> memref<128x128xf32, #tpu.memory_space<vmem>>
        %dma_wait3A_208 = arith.constant 0 : i32
        %dma_wait3A_209 = tpu.memref_slice %arg2[%mul3A_202, %dma_wait3A_208] : memref<368640x128xf32, #tpu.memory_space<hbm>> -> memref<128x128xf32, #tpu.memory_space<hbm>>
        %dma_wait3A_210 = arith.constant 0 : i32
        %dma_wait3A_211 = arith.constant 0 : i32
        %dma_wait3A_212 = tpu.memref_slice %arg4[%dma_wait3A_203, %dma_wait3A_210, %dma_wait3A_211] : memref<2x128x128xf32, #tpu.memory_space<vmem>> -> memref<1x128x128xf32, #tpu.memory_space<vmem>>
        %dma_wait3A_213 = tpu.memref_squeeze %dma_wait3A_212 : memref<1x128x128xf32, #tpu.memory_space<vmem>> -> memref<128x128xf32, #tpu.memory_space<vmem>>
        %dma_wait3A_214 = arith.constant 0 : i32
        %dma_wait3A_215 = tpu.memref_slice %arg2[%mul3A_202, %dma_wait3A_214] : memref<368640x128xf32, #tpu.memory_space<hbm>> -> memref<128x128xf32, #tpu.memory_space<hbm>>
        tpu.wait_dma2 semaphore(%arg7 : memref<!tpu.dma_semaphore, #tpu.memory_space<semaphore_mem>>) src(%dma_wait3A_215 : memref<128x128xf32, #tpu.memory_space<hbm>>) dst(%dma_wait3A_213 : memref<128x128xf32, #tpu.memory_space<vmem>>)
        %add3A_216 = arith.constant 1 : i32
        %add3A_217 = arith.addi %add3A_200, %add3A_216 : i32
        %lt3A_218 = arith.cmpi slt, %add3A_217, %mul3A_12 : i32
        %convert_element_type3A_219 = arith.extui %lt3A_218 : i1 to i32
        %cond3A_220 = arith.constant 0 : i32
        %cond3A_221 = arith.cmpi ne, %convert_element_type3A_219, %cond3A_220 : i32
        scf.if %cond3A_221 {
          %add3A_234 = arith.constant 1 : i32
          %add3A_235 = arith.addi %add3A_200, %add3A_234 : i32
          %mul3A_236 = arith.constant 128 : i32
          %mul3A_237 = arith.muli %add3A_235, %mul3A_236 : i32
          %dma_start3A_238 = arith.constant 0 : i32
          %dma_start3A_239 = arith.constant 0 : i32
          %dma_start3A_240 = arith.constant 0 : i32
          %dma_start3A_241 = tpu.memref_slice %arg4[%dma_start3A_238, %dma_start3A_239, %dma_start3A_240] : memref<2x128x128xf32, #tpu.memory_space<vmem>> -> memref<1x128x128xf32, #tpu.memory_space<vmem>>
          %dma_start3A_242 = tpu.memref_squeeze %dma_start3A_241 : memref<1x128x128xf32, #tpu.memory_space<vmem>> -> memref<128x128xf32, #tpu.memory_space<vmem>>
          %dma_start3A_243 = arith.constant 0 : i32
          %dma_start3A_244 = tpu.memref_slice %arg2[%mul3A_237, %dma_start3A_243] : memref<368640x128xf32, #tpu.memory_space<hbm>> -> memref<128x128xf32, #tpu.memory_space<hbm>>
          %dma_start3A_245 = arith.constant 0 : i32
          %dma_start3A_246 = arith.constant 0 : i32
          %dma_start3A_247 = tpu.memref_slice %arg4[%dma_start3A_238, %dma_start3A_245, %dma_start3A_246] : memref<2x128x128xf32, #tpu.memory_space<vmem>> -> memref<1x128x128xf32, #tpu.memory_space<vmem>>
          %dma_start3A_248 = tpu.memref_squeeze %dma_start3A_247 : memref<1x128x128xf32, #tpu.memory_space<vmem>> -> memref<128x128xf32, #tpu.memory_space<vmem>>
          %dma_start3A_249 = arith.constant 0 : i32
          %dma_start3A_250 = tpu.memref_slice %arg2[%mul3A_237, %dma_start3A_249] : memref<368640x128xf32, #tpu.memory_space<hbm>> -> memref<128x128xf32, #tpu.memory_space<hbm>>
          tpu.enqueue_dma source(%dma_start3A_250 : memref<128x128xf32, #tpu.memory_space<hbm>>) target(%dma_start3A_248 : memref<128x128xf32, #tpu.memory_space<vmem>>) target_semaphore(%arg6 : memref<!tpu.dma_semaphore, #tpu.memory_space<semaphore_mem>>)
        } else {
        }
        %scan3A_222 = arith.constant 0 : i32
        %scan3A_223 = arith.constant 64 : i32
        %scan3A_224 = arith.addi %scan3A_222, %scan3A_223 : i32
        %scan3A_225 = arith.constant 1 : i32
        %scan3A_226:20 = scf.for %scan3A_234 = %scan3A_222 to %scan3A_224 step %scan3A_225 iter_args(%scan3A_235 = %scan3A_185#0, %scan3A_236 = %scan3A_185#1, %scan3A_237 = %scan3A_185#2, %scan3A_238 = %scan3A_185#3, %scan3A_239 = %scan3A_185#4, %scan3A_240 = %scan3A_185#5, %scan3A_241 = %scan3A_185#6, %scan3A_242 = %scan3A_185#7, %scan3A_243 = %scan3A_185#8, %scan3A_244 = %scan3A_185#9, %scan3A_245 = %scan3A_185#10, %scan3A_246 = %scan3A_185#11, %scan3A_247 = %scan3A_185#12, %scan3A_248 = %scan3A_185#13, %scan3A_249 = %scan3A_185#14, %scan3A_250 = %scan3A_185#15, %scan3A_251 = %scan3A_185#16, %scan3A_252 = %scan3A_185#17, %scan3A_253 = %scan3A_185#18, %scan3A_254 = %scan3A_185#19) -> (vector<16xf32>, vector<16xf32>, vector<16xf32>, vector<16xf32>, vector<16xf32>, vector<16xf32>, vector<16xf32>, vector<16xf32>, vector<16xf32>, vector<16xf32>, vector<16xf32>, vector<16xf32>, vector<16xf32>, vector<16xf32>, vector<16xf32>, vector<16xf32>, vector<16xf32>, vector<16xf32>, vector<16xf32>, vector<16xf32>)  : i32 {
          %mul3A_255 = arith.constant 2 : i32
          %mul3A_256 = arith.muli %scan3A_234, %mul3A_255 : i32
          %add3A_257 = arith.constant 0 : i32
          %add3A_258 = arith.addi %mul3A_256, %add3A_257 : i32
          %get3A = arith.constant 1 : i32
          %get3A_259 = arith.index_cast %get3A : i32 to index
          %get3A_260 = arith.index_cast %add3A_258 : i32 to index
          %get3A_261 = arith.constant 0 : index
          %get3A_262 = tpu.vector_load %arg4[%get3A_259, %get3A_260, %get3A_261] {strides = array<i32>} : memref<2x128x128xf32, #tpu.memory_space<vmem>>, vector<16xf32>,
          %max3A = arith.maximumf %scan3A_235, %get3A_262 : vector<16xf32>
          %min3A_263 = arith.minimumf %scan3A_235, %get3A_262 : vector<16xf32>
          %max3A_264 = arith.maximumf %scan3A_236, %min3A_263 : vector<16xf32>
          %min3A_265 = arith.minimumf %scan3A_236, %min3A_263 : vector<16xf32>
          %max3A_266 = arith.maximumf %scan3A_237, %min3A_265 : vector<16xf32>
          %min3A_267 = arith.minimumf %scan3A_237, %min3A_265 : vector<16xf32>
          %max3A_268 = arith.maximumf %scan3A_238, %min3A_267 : vector<16xf32>
          %min3A_269 = arith.minimumf %scan3A_238, %min3A_267 : vector<16xf32>
          %max3A_270 = arith.maximumf %scan3A_239, %min3A_269 : vector<16xf32>
          %mul3A_271 = arith.constant 2 : i32
          %mul3A_272 = arith.muli %scan3A_234, %mul3A_271 : i32
          %add3A_273 = arith.constant 0 : i32
          %add3A_274 = arith.addi %mul3A_272, %add3A_273 : i32
          %get3A_275 = arith.constant 1 : i32
          %get3A_276 = arith.index_cast %get3A_275 : i32 to index
          %get3A_277 = arith.index_cast %add3A_274 : i32 to index
          %get3A_278 = arith.constant 16 : index
          %get3A_279 = tpu.vector_load %arg4[%get3A_276, %get3A_277, %get3A_278] {strides = array<i32>} : memref<2x128x128xf32, #tpu.memory_space<vmem>>, vector<16xf32>,
          %max3A_280 = arith.maximumf %scan3A_240, %get3A_279 : vector<16xf32>
          %min3A_281 = arith.minimumf %scan3A_240, %get3A_279 : vector<16xf32>
          %max3A_282 = arith.maximumf %scan3A_241, %min3A_281 : vector<16xf32>
          %min3A_283 = arith.minimumf %scan3A_241, %min3A_281 : vector<16xf32>
          %max3A_284 = arith.maximumf %scan3A_242, %min3A_283 : vector<16xf32>
          %min3A_285 = arith.minimumf %scan3A_242, %min3A_283 : vector<16xf32>
          %max3A_286 = arith.maximumf %scan3A_243, %min3A_285 : vector<16xf32>
          %min3A_287 = arith.minimumf %scan3A_243, %min3A_285 : vector<16xf32>
          %max3A_288 = arith.maximumf %scan3A_244, %min3A_287 : vector<16xf32>
          %mul3A_289 = arith.constant 2 : i32
          %mul3A_290 = arith.muli %scan3A_234, %mul3A_289 : i32
          %add3A_291 = arith.constant 0 : i32
          %add3A_292 = arith.addi %mul3A_290, %add3A_291 : i32
          %get3A_293 = arith.constant 1 : i32
          %get3A_294 = arith.index_cast %get3A_293 : i32 to index
          %get3A_295 = arith.index_cast %add3A_292 : i32 to index
          %get3A_296 = arith.constant 32 : index
          %get3A_297 = tpu.vector_load %arg4[%get3A_294, %get3A_295, %get3A_296] {strides = array<i32>} : memref<2x128x128xf32, #tpu.memory_space<vmem>>, vector<16xf32>,
          %max3A_298 = arith.maximumf %scan3A_245, %get3A_297 : vector<16xf32>
          %min3A_299 = arith.minimumf %scan3A_245, %get3A_297 : vector<16xf32>
          %max3A_300 = arith.maximumf %scan3A_246, %min3A_299 : vector<16xf32>
          %min3A_301 = arith.minimumf %scan3A_246, %min3A_299 : vector<16xf32>
          %max3A_302 = arith.maximumf %scan3A_247, %min3A_301 : vector<16xf32>
          %min3A_303 = arith.minimumf %scan3A_247, %min3A_301 : vector<16xf32>
          %max3A_304 = arith.maximumf %scan3A_248, %min3A_303 : vector<16xf32>
          %min3A_305 = arith.minimumf %scan3A_248, %min3A_303 : vector<16xf32>
          %max3A_306 = arith.maximumf %scan3A_249, %min3A_305 : vector<16xf32>
          %mul3A_307 = arith.constant 2 : i32
          %mul3A_308 = arith.muli %scan3A_234, %mul3A_307 : i32
          %add3A_309 = arith.constant 0 : i32
          %add3A_310 = arith.addi %mul3A_308, %add3A_309 : i32
          %get3A_311 = arith.constant 1 : i32
          %get3A_312 = arith.index_cast %get3A_311 : i32 to index
          %get3A_313 = arith.index_cast %add3A_310 : i32 to index
          %get3A_314 = arith.constant 48 : index
          %get3A_315 = tpu.vector_load %arg4[%get3A_312, %get3A_313, %get3A_314] {strides = array<i32>} : memref<2x128x128xf32, #tpu.memory_space<vmem>>, vector<16xf32>,
          %max3A_316 = arith.maximumf %scan3A_250, %get3A_315 : vector<16xf32>
          %min3A_317 = arith.minimumf %scan3A_250, %get3A_315 : vector<16xf32>
          %max3A_318 = arith.maximumf %scan3A_251, %min3A_317 : vector<16xf32>
          %min3A_319 = arith.minimumf %scan3A_251, %min3A_317 : vector<16xf32>
          %max3A_320 = arith.maximumf %scan3A_252, %min3A_319 : vector<16xf32>
          %min3A_321 = arith.minimumf %scan3A_252, %min3A_319 : vector<16xf32>
          %max3A_322 = arith.maximumf %scan3A_253, %min3A_321 : vector<16xf32>
          %min3A_323 = arith.minimumf %scan3A_253, %min3A_321 : vector<16xf32>
          %max3A_324 = arith.maximumf %scan3A_254, %min3A_323 : vector<16xf32>
          %mul3A_325 = arith.constant 2 : i32
          %mul3A_326 = arith.muli %scan3A_234, %mul3A_325 : i32
          %add3A_327 = arith.constant 1 : i32
          %add3A_328 = arith.addi %mul3A_326, %add3A_327 : i32
          %get3A_329 = arith.constant 1 : i32
          %get3A_330 = arith.index_cast %get3A_329 : i32 to index
          %get3A_331 = arith.index_cast %add3A_328 : i32 to index
          %get3A_332 = arith.constant 0 : index
          %get3A_333 = tpu.vector_load %arg4[%get3A_330, %get3A_331, %get3A_332] {strides = array<i32>} : memref<2x128x128xf32, #tpu.memory_space<vmem>>, vector<16xf32>,
          %max3A_334 = arith.maximumf %max3A, %get3A_333 : vector<16xf32>
          %min3A_335 = arith.minimumf %max3A, %get3A_333 : vector<16xf32>
          %max3A_336 = arith.maximumf %max3A_264, %min3A_335 : vector<16xf32>
          %min3A_337 = arith.minimumf %max3A_264, %min3A_335 : vector<16xf32>
          %max3A_338 = arith.maximumf %max3A_266, %min3A_337 : vector<16xf32>
          %min3A_339 = arith.minimumf %max3A_266, %min3A_337 : vector<16xf32>
          %max3A_340 = arith.maximumf %max3A_268, %min3A_339 : vector<16xf32>
          %min3A_341 = arith.minimumf %max3A_268, %min3A_339 : vector<16xf32>
          %max3A_342 = arith.maximumf %max3A_270, %min3A_341 : vector<16xf32>
          %mul3A_343 = arith.constant 2 : i32
          %mul3A_344 = arith.muli %scan3A_234, %mul3A_343 : i32
          %add3A_345 = arith.constant 1 : i32
          %add3A_346 = arith.addi %mul3A_344, %add3A_345 : i32
          %get3A_347 = arith.constant 1 : i32
          %get3A_348 = arith.index_cast %get3A_347 : i32 to index
          %get3A_349 = arith.index_cast %add3A_346 : i32 to index
          %get3A_350 = arith.constant 16 : index
          %get3A_351 = tpu.vector_load %arg4[%get3A_348, %get3A_349, %get3A_350] {strides = array<i32>} : memref<2x128x128xf32, #tpu.memory_space<vmem>>, vector<16xf32>,
          %max3A_352 = arith.maximumf %max3A_280, %get3A_351 : vector<16xf32>
          %min3A_353 = arith.minimumf %max3A_280, %get3A_351 : vector<16xf32>
          %max3A_354 = arith.maximumf %max3A_282, %min3A_353 : vector<16xf32>
          %min3A_355 = arith.minimumf %max3A_282, %min3A_353 : vector<16xf32>
          %max3A_356 = arith.maximumf %max3A_284, %min3A_355 : vector<16xf32>
          %min3A_357 = arith.minimumf %max3A_284, %min3A_355 : vector<16xf32>
          %max3A_358 = arith.maximumf %max3A_286, %min3A_357 : vector<16xf32>
          %min3A_359 = arith.minimumf %max3A_286, %min3A_357 : vector<16xf32>
          %max3A_360 = arith.maximumf %max3A_288, %min3A_359 : vector<16xf32>
          %mul3A_361 = arith.constant 2 : i32
          %mul3A_362 = arith.muli %scan3A_234, %mul3A_361 : i32
          %add3A_363 = arith.constant 1 : i32
          %add3A_364 = arith.addi %mul3A_362, %add3A_363 : i32
          %get3A_365 = arith.constant 1 : i32
          %get3A_366 = arith.index_cast %get3A_365 : i32 to index
          %get3A_367 = arith.index_cast %add3A_364 : i32 to index
          %get3A_368 = arith.constant 32 : index
          %get3A_369 = tpu.vector_load %arg4[%get3A_366, %get3A_367, %get3A_368] {strides = array<i32>} : memref<2x128x128xf32, #tpu.memory_space<vmem>>, vector<16xf32>,
          %max3A_370 = arith.maximumf %max3A_298, %get3A_369 : vector<16xf32>
          %min3A_371 = arith.minimumf %max3A_298, %get3A_369 : vector<16xf32>
          %max3A_372 = arith.maximumf %max3A_300, %min3A_371 : vector<16xf32>
          %min3A_373 = arith.minimumf %max3A_300, %min3A_371 : vector<16xf32>
          %max3A_374 = arith.maximumf %max3A_302, %min3A_373 : vector<16xf32>
          %min3A_375 = arith.minimumf %max3A_302, %min3A_373 : vector<16xf32>
          %max3A_376 = arith.maximumf %max3A_304, %min3A_375 : vector<16xf32>
          %min3A_377 = arith.minimumf %max3A_304, %min3A_375 : vector<16xf32>
          %max3A_378 = arith.maximumf %max3A_306, %min3A_377 : vector<16xf32>
          %mul3A_379 = arith.constant 2 : i32
          %mul3A_380 = arith.muli %scan3A_234, %mul3A_379 : i32
          %add3A_381 = arith.constant 1 : i32
          %add3A_382 = arith.addi %mul3A_380, %add3A_381 : i32
          %get3A_383 = arith.constant 1 : i32
          %get3A_384 = arith.index_cast %get3A_383 : i32 to index
          %get3A_385 = arith.index_cast %add3A_382 : i32 to index
          %get3A_386 = arith.constant 48 : index
          %get3A_387 = tpu.vector_load %arg4[%get3A_384, %get3A_385, %get3A_386] {strides = array<i32>} : memref<2x128x128xf32, #tpu.memory_space<vmem>>, vector<16xf32>,
          %max3A_388 = arith.maximumf %max3A_316, %get3A_387 : vector<16xf32>
          %min3A_389 = arith.minimumf %max3A_316, %get3A_387 : vector<16xf32>
          %max3A_390 = arith.maximumf %max3A_318, %min3A_389 : vector<16xf32>
          %min3A_391 = arith.minimumf %max3A_318, %min3A_389 : vector<16xf32>
          %max3A_392 = arith.maximumf %max3A_320, %min3A_391 : vector<16xf32>
          %min3A_393 = arith.minimumf %max3A_320, %min3A_391 : vector<16xf32>
          %max3A_394 = arith.maximumf %max3A_322, %min3A_393 : vector<16xf32>
          %min3A_395 = arith.minimumf %max3A_322, %min3A_393 : vector<16xf32>
          %max3A_396 = arith.maximumf %max3A_324, %min3A_395 : vector<16xf32>
          scf.yield %max3A_334, %max3A_336, %max3A_338, %max3A_340, %max3A_342, %max3A_352, %max3A_354, %max3A_356, %max3A_358, %max3A_360, %max3A_370, %max3A_372, %max3A_374, %max3A_376, %max3A_378, %max3A_388, %max3A_390, %max3A_392, %max3A_394, %max3A_396 : vector<16xf32>, vector<16xf32>, vector<16xf32>, vector<16xf32>, vector<16xf32>, vector<16xf32>, vector<16xf32>, vector<16xf32>, vector<16xf32>, vector<16xf32>, vector<16xf32>, vector<16xf32>, vector<16xf32>, vector<16xf32>, vector<16xf32>, vector<16xf32>, vector<16xf32>, vector<16xf32>, vector<16xf32>, vector<16xf32>
        }
        %scan3A_227 = arith.constant 64 : i32
        %scan3A_228 = arith.constant 0 : i32
        %scan3A_229 = arith.constant 64 : i32
        %scan3A_230 = arith.addi %scan3A_228, %scan3A_229 : i32
        %scan3A_231 = arith.constant 1 : i32
        %scan3A_232:20 = scf.for %scan3A_234 = %scan3A_228 to %scan3A_230 step %scan3A_231 iter_args(%scan3A_235 = %scan3A_191#0, %scan3A_236 = %scan3A_191#1, %scan3A_237 = %scan3A_191#2, %scan3A_238 = %scan3A_191#3, %scan3A_239 = %scan3A_191#4, %scan3A_240 = %scan3A_191#5, %scan3A_241 = %scan3A_191#6, %scan3A_242 = %scan3A_191#7, %scan3A_243 = %scan3A_191#8, %scan3A_244 = %scan3A_191#9, %scan3A_245 = %scan3A_191#10, %scan3A_246 = %scan3A_191#11, %scan3A_247 = %scan3A_191#12, %scan3A_248 = %scan3A_191#13, %scan3A_249 = %scan3A_191#14, %scan3A_250 = %scan3A_191#15, %scan3A_251 = %scan3A_191#16, %scan3A_252 = %scan3A_191#17, %scan3A_253 = %scan3A_191#18, %scan3A_254 = %scan3A_191#19) -> (vector<16xf32>, vector<16xf32>, vector<16xf32>, vector<16xf32>, vector<16xf32>, vector<16xf32>, vector<16xf32>, vector<16xf32>, vector<16xf32>, vector<16xf32>, vector<16xf32>, vector<16xf32>, vector<16xf32>, vector<16xf32>, vector<16xf32>, vector<16xf32>, vector<16xf32>, vector<16xf32>, vector<16xf32>, vector<16xf32>)  : i32 {
          %mul3A_255 = arith.constant 2 : i32
          %mul3A_256 = arith.muli %scan3A_234, %mul3A_255 : i32
          %add3A_257 = arith.constant 0 : i32
          %add3A_258 = arith.addi %mul3A_256, %add3A_257 : i32
          %get3A = arith.constant 1 : i32
          %get3A_259 = arith.index_cast %get3A : i32 to index
          %get3A_260 = arith.index_cast %add3A_258 : i32 to index
          %get3A_261 = arith.constant 64 : index
          %get3A_262 = tpu.vector_load %arg4[%get3A_259, %get3A_260, %get3A_261] {strides = array<i32>} : memref<2x128x128xf32, #tpu.memory_space<vmem>>, vector<16xf32>,
          %max3A = arith.maximumf %scan3A_235, %get3A_262 : vector<16xf32>
          %min3A_263 = arith.minimumf %scan3A_235, %get3A_262 : vector<16xf32>
          %max3A_264 = arith.maximumf %scan3A_236, %min3A_263 : vector<16xf32>
          %min3A_265 = arith.minimumf %scan3A_236, %min3A_263 : vector<16xf32>
          %max3A_266 = arith.maximumf %scan3A_237, %min3A_265 : vector<16xf32>
          %min3A_267 = arith.minimumf %scan3A_237, %min3A_265 : vector<16xf32>
          %max3A_268 = arith.maximumf %scan3A_238, %min3A_267 : vector<16xf32>
          %min3A_269 = arith.minimumf %scan3A_238, %min3A_267 : vector<16xf32>
          %max3A_270 = arith.maximumf %scan3A_239, %min3A_269 : vector<16xf32>
          %mul3A_271 = arith.constant 2 : i32
          %mul3A_272 = arith.muli %scan3A_234, %mul3A_271 : i32
          %add3A_273 = arith.constant 0 : i32
          %add3A_274 = arith.addi %mul3A_272, %add3A_273 : i32
          %get3A_275 = arith.constant 1 : i32
          %get3A_276 = arith.index_cast %get3A_275 : i32 to index
          %get3A_277 = arith.index_cast %add3A_274 : i32 to index
          %get3A_278 = arith.constant 80 : index
          %get3A_279 = tpu.vector_load %arg4[%get3A_276, %get3A_277, %get3A_278] {strides = array<i32>} : memref<2x128x128xf32, #tpu.memory_space<vmem>>, vector<16xf32>,
          %max3A_280 = arith.maximumf %scan3A_240, %get3A_279 : vector<16xf32>
          %min3A_281 = arith.minimumf %scan3A_240, %get3A_279 : vector<16xf32>
          %max3A_282 = arith.maximumf %scan3A_241, %min3A_281 : vector<16xf32>
          %min3A_283 = arith.minimumf %scan3A_241, %min3A_281 : vector<16xf32>
          %max3A_284 = arith.maximumf %scan3A_242, %min3A_283 : vector<16xf32>
          %min3A_285 = arith.minimumf %scan3A_242, %min3A_283 : vector<16xf32>
          %max3A_286 = arith.maximumf %scan3A_243, %min3A_285 : vector<16xf32>
          %min3A_287 = arith.minimumf %scan3A_243, %min3A_285 : vector<16xf32>
          %max3A_288 = arith.maximumf %scan3A_244, %min3A_287 : vector<16xf32>
          %mul3A_289 = arith.constant 2 : i32
          %mul3A_290 = arith.muli %scan3A_234, %mul3A_289 : i32
          %add3A_291 = arith.constant 0 : i32
          %add3A_292 = arith.addi %mul3A_290, %add3A_291 : i32
          %get3A_293 = arith.constant 1 : i32
          %get3A_294 = arith.index_cast %get3A_293 : i32 to index
          %get3A_295 = arith.index_cast %add3A_292 : i32 to index
          %get3A_296 = arith.constant 96 : index
          %get3A_297 = tpu.vector_load %arg4[%get3A_294, %get3A_295, %get3A_296] {strides = array<i32>} : memref<2x128x128xf32, #tpu.memory_space<vmem>>, vector<16xf32>,
          %max3A_298 = arith.maximumf %scan3A_245, %get3A_297 : vector<16xf32>
          %min3A_299 = arith.minimumf %scan3A_245, %get3A_297 : vector<16xf32>
          %max3A_300 = arith.maximumf %scan3A_246, %min3A_299 : vector<16xf32>
          %min3A_301 = arith.minimumf %scan3A_246, %min3A_299 : vector<16xf32>
          %max3A_302 = arith.maximumf %scan3A_247, %min3A_301 : vector<16xf32>
          %min3A_303 = arith.minimumf %scan3A_247, %min3A_301 : vector<16xf32>
          %max3A_304 = arith.maximumf %scan3A_248, %min3A_303 : vector<16xf32>
          %min3A_305 = arith.minimumf %scan3A_248, %min3A_303 : vector<16xf32>
          %max3A_306 = arith.maximumf %scan3A_249, %min3A_305 : vector<16xf32>
          %mul3A_307 = arith.constant 2 : i32
          %mul3A_308 = arith.muli %scan3A_234, %mul3A_307 : i32
          %add3A_309 = arith.constant 0 : i32
          %add3A_310 = arith.addi %mul3A_308, %add3A_309 : i32
          %get3A_311 = arith.constant 1 : i32
          %get3A_312 = arith.index_cast %get3A_311 : i32 to index
          %get3A_313 = arith.index_cast %add3A_310 : i32 to index
          %get3A_314 = arith.constant 112 : index
          %get3A_315 = tpu.vector_load %arg4[%get3A_312, %get3A_313, %get3A_314] {strides = array<i32>} : memref<2x128x128xf32, #tpu.memory_space<vmem>>, vector<16xf32>,
          %max3A_316 = arith.maximumf %scan3A_250, %get3A_315 : vector<16xf32>
          %min3A_317 = arith.minimumf %scan3A_250, %get3A_315 : vector<16xf32>
          %max3A_318 = arith.maximumf %scan3A_251, %min3A_317 : vector<16xf32>
          %min3A_319 = arith.minimumf %scan3A_251, %min3A_317 : vector<16xf32>
          %max3A_320 = arith.maximumf %scan3A_252, %min3A_319 : vector<16xf32>
          %min3A_321 = arith.minimumf %scan3A_252, %min3A_319 : vector<16xf32>
          %max3A_322 = arith.maximumf %scan3A_253, %min3A_321 : vector<16xf32>
          %min3A_323 = arith.minimumf %scan3A_253, %min3A_321 : vector<16xf32>
          %max3A_324 = arith.maximumf %scan3A_254, %min3A_323 : vector<16xf32>
          %mul3A_325 = arith.constant 2 : i32
          %mul3A_326 = arith.muli %scan3A_234, %mul3A_325 : i32
          %add3A_327 = arith.constant 1 : i32
          %add3A_328 = arith.addi %mul3A_326, %add3A_327 : i32
          %get3A_329 = arith.constant 1 : i32
          %get3A_330 = arith.index_cast %get3A_329 : i32 to index
          %get3A_331 = arith.index_cast %add3A_328 : i32 to index
          %get3A_332 = arith.constant 64 : index
          %get3A_333 = tpu.vector_load %arg4[%get3A_330, %get3A_331, %get3A_332] {strides = array<i32>} : memref<2x128x128xf32, #tpu.memory_space<vmem>>, vector<16xf32>,
          %max3A_334 = arith.maximumf %max3A, %get3A_333 : vector<16xf32>
          %min3A_335 = arith.minimumf %max3A, %get3A_333 : vector<16xf32>
          %max3A_336 = arith.maximumf %max3A_264, %min3A_335 : vector<16xf32>
          %min3A_337 = arith.minimumf %max3A_264, %min3A_335 : vector<16xf32>
          %max3A_338 = arith.maximumf %max3A_266, %min3A_337 : vector<16xf32>
          %min3A_339 = arith.minimumf %max3A_266, %min3A_337 : vector<16xf32>
          %max3A_340 = arith.maximumf %max3A_268, %min3A_339 : vector<16xf32>
          %min3A_341 = arith.minimumf %max3A_268, %min3A_339 : vector<16xf32>
          %max3A_342 = arith.maximumf %max3A_270, %min3A_341 : vector<16xf32>
          %mul3A_343 = arith.constant 2 : i32
          %mul3A_344 = arith.muli %scan3A_234, %mul3A_343 : i32
          %add3A_345 = arith.constant 1 : i32
          %add3A_346 = arith.addi %mul3A_344, %add3A_345 : i32
          %get3A_347 = arith.constant 1 : i32
          %get3A_348 = arith.index_cast %get3A_347 : i32 to index
          %get3A_349 = arith.index_cast %add3A_346 : i32 to index
          %get3A_350 = arith.constant 80 : index
          %get3A_351 = tpu.vector_load %arg4[%get3A_348, %get3A_349, %get3A_350] {strides = array<i32>} : memref<2x128x128xf32, #tpu.memory_space<vmem>>, vector<16xf32>,
          %max3A_352 = arith.maximumf %max3A_280, %get3A_351 : vector<16xf32>
          %min3A_353 = arith.minimumf %max3A_280, %get3A_351 : vector<16xf32>
          %max3A_354 = arith.maximumf %max3A_282, %min3A_353 : vector<16xf32>
          %min3A_355 = arith.minimumf %max3A_282, %min3A_353 : vector<16xf32>
          %max3A_356 = arith.maximumf %max3A_284, %min3A_355 : vector<16xf32>
          %min3A_357 = arith.minimumf %max3A_284, %min3A_355 : vector<16xf32>
          %max3A_358 = arith.maximumf %max3A_286, %min3A_357 : vector<16xf32>
          %min3A_359 = arith.minimumf %max3A_286, %min3A_357 : vector<16xf32>
          %max3A_360 = arith.maximumf %max3A_288, %min3A_359 : vector<16xf32>
          %mul3A_361 = arith.constant 2 : i32
          %mul3A_362 = arith.muli %scan3A_234, %mul3A_361 : i32
          %add3A_363 = arith.constant 1 : i32
          %add3A_364 = arith.addi %mul3A_362, %add3A_363 : i32
          %get3A_365 = arith.constant 1 : i32
          %get3A_366 = arith.index_cast %get3A_365 : i32 to index
          %get3A_367 = arith.index_cast %add3A_364 : i32 to index
          %get3A_368 = arith.constant 96 : index
          %get3A_369 = tpu.vector_load %arg4[%get3A_366, %get3A_367, %get3A_368] {strides = array<i32>} : memref<2x128x128xf32, #tpu.memory_space<vmem>>, vector<16xf32>,
          %max3A_370 = arith.maximumf %max3A_298, %get3A_369 : vector<16xf32>
          %min3A_371 = arith.minimumf %max3A_298, %get3A_369 : vector<16xf32>
          %max3A_372 = arith.maximumf %max3A_300, %min3A_371 : vector<16xf32>
          %min3A_373 = arith.minimumf %max3A_300, %min3A_371 : vector<16xf32>
          %max3A_374 = arith.maximumf %max3A_302, %min3A_373 : vector<16xf32>
          %min3A_375 = arith.minimumf %max3A_302, %min3A_373 : vector<16xf32>
          %max3A_376 = arith.maximumf %max3A_304, %min3A_375 : vector<16xf32>
          %min3A_377 = arith.minimumf %max3A_304, %min3A_375 : vector<16xf32>
          %max3A_378 = arith.maximumf %max3A_306, %min3A_377 : vector<16xf32>
          %mul3A_379 = arith.constant 2 : i32
          %mul3A_380 = arith.muli %scan3A_234, %mul3A_379 : i32
          %add3A_381 = arith.constant 1 : i32
          %add3A_382 = arith.addi %mul3A_380, %add3A_381 : i32
          %get3A_383 = arith.constant 1 : i32
          %get3A_384 = arith.index_cast %get3A_383 : i32 to index
          %get3A_385 = arith.index_cast %add3A_382 : i32 to index
          %get3A_386 = arith.constant 112 : index
          %get3A_387 = tpu.vector_load %arg4[%get3A_384, %get3A_385, %get3A_386] {strides = array<i32>} : memref<2x128x128xf32, #tpu.memory_space<vmem>>, vector<16xf32>,
          %max3A_388 = arith.maximumf %max3A_316, %get3A_387 : vector<16xf32>
          %min3A_389 = arith.minimumf %max3A_316, %get3A_387 : vector<16xf32>
          %max3A_390 = arith.maximumf %max3A_318, %min3A_389 : vector<16xf32>
          %min3A_391 = arith.minimumf %max3A_318, %min3A_389 : vector<16xf32>
          %max3A_392 = arith.maximumf %max3A_320, %min3A_391 : vector<16xf32>
          %min3A_393 = arith.minimumf %max3A_320, %min3A_391 : vector<16xf32>
          %max3A_394 = arith.maximumf %max3A_322, %min3A_393 : vector<16xf32>
          %min3A_395 = arith.minimumf %max3A_322, %min3A_393 : vector<16xf32>
          %max3A_396 = arith.maximumf %max3A_324, %min3A_395 : vector<16xf32>
          scf.yield %max3A_334, %max3A_336, %max3A_338, %max3A_340, %max3A_342, %max3A_352, %max3A_354, %max3A_356, %max3A_358, %max3A_360, %max3A_370, %max3A_372, %max3A_374, %max3A_376, %max3A_378, %max3A_388, %max3A_390, %max3A_392, %max3A_394, %max3A_396 : vector<16xf32>, vector<16xf32>, vector<16xf32>, vector<16xf32>, vector<16xf32>, vector<16xf32>, vector<16xf32>, vector<16xf32>, vector<16xf32>, vector<16xf32>, vector<16xf32>, vector<16xf32>, vector<16xf32>, vector<16xf32>, vector<16xf32>, vector<16xf32>, vector<16xf32>, vector<16xf32>, vector<16xf32>, vector<16xf32>
        }
        %scan3A_233 = arith.constant 64 : i32
        scf.yield %scan3A_226#0, %scan3A_226#1, %scan3A_226#2, %scan3A_226#3, %scan3A_226#4, %scan3A_226#5, %scan3A_226#6, %scan3A_226#7, %scan3A_226#8, %scan3A_226#9, %scan3A_226#10, %scan3A_226#11, %scan3A_226#12, %scan3A_226#13, %scan3A_226#14, %scan3A_226#15, %scan3A_226#16, %scan3A_226#17, %scan3A_226#18, %scan3A_226#19, %scan3A_232#0, %scan3A_232#1, %scan3A_232#2, %scan3A_232#3, %scan3A_232#4, %scan3A_232#5, %scan3A_232#6, %scan3A_232#7, %scan3A_232#8, %scan3A_232#9, %scan3A_232#10, %scan3A_232#11, %scan3A_232#12, %scan3A_232#13, %scan3A_232#14, %scan3A_232#15, %scan3A_232#16, %scan3A_232#17, %scan3A_232#18, %scan3A_232#19 : vector<16xf32>, vector<16xf32>, vector<16xf32>, vector<16xf32>, vector<16xf32>, vector<16xf32>, vector<16xf32>, vector<16xf32>, vector<16xf32>, vector<16xf32>, vector<16xf32>, vector<16xf32>, vector<16xf32>, vector<16xf32>, vector<16xf32>, vector<16xf32>, vector<16xf32>, vector<16xf32>, vector<16xf32>, vector<16xf32>, vector<16xf32>, vector<16xf32>, vector<16xf32>, vector<16xf32>, vector<16xf32>, vector<16xf32>, vector<16xf32>, vector<16xf32>, vector<16xf32>, vector<16xf32>, vector<16xf32>, vector<16xf32>, vector<16xf32>, vector<16xf32>, vector<16xf32>, vector<16xf32>, vector<16xf32>, vector<16xf32>, vector<16xf32>, vector<16xf32>
      }
      %scan3A_41 = arith.constant 16 : i32
      %add3A_42 = arith.addf %scan3A_40#0, %scan3A_40#1 : vector<16xf32>
      %add3A_43 = arith.addf %add3A_42, %scan3A_40#2 : vector<16xf32>
      %add3A_44 = arith.addf %add3A_43, %scan3A_40#3 : vector<16xf32>
      %add3A_45 = arith.addf %add3A_44, %scan3A_40#4 : vector<16xf32>
      %mul3A_46 = arith.constant 2.000000e-01 : f32
      %mul3A_47 = vector.broadcast %mul3A_46 : f32 to vector<16xf32>
      %mul3A_48 = arith.mulf %add3A_45, %mul3A_47 : vector<16xf32>
      %swap3A = arith.constant 0 : index
      %swap3A_49 = tpu.vector_load %arg5[%swap3A] {strides = array<i32>} : memref<128xf32, #tpu.memory_space<vmem>>, vector<16xf32>,
      tpu.vector_store %arg5[%swap3A], %mul3A_48 {strides = array<i32>} : memref<128xf32, #tpu.memory_space<vmem>>, vector<16xf32>,
      %add3A_50 = arith.addf %scan3A_40#5, %scan3A_40#6 : vector<16xf32>
      %add3A_51 = arith.addf %add3A_50, %scan3A_40#7 : vector<16xf32>
      %add3A_52 = arith.addf %add3A_51, %scan3A_40#8 : vector<16xf32>
      %add3A_53 = arith.addf %add3A_52, %scan3A_40#9 : vector<16xf32>
      %mul3A_54 = arith.constant 2.000000e-01 : f32
      %mul3A_55 = vector.broadcast %mul3A_54 : f32 to vector<16xf32>
      %mul3A_56 = arith.mulf %add3A_53, %mul3A_55 : vector<16xf32>
      %swap3A_57 = arith.constant 16 : index
      %swap3A_58 = tpu.vector_load %arg5[%swap3A_57] {strides = array<i32>} : memref<128xf32, #tpu.memory_space<vmem>>, vector<16xf32>,
      tpu.vector_store %arg5[%swap3A_57], %mul3A_56 {strides = array<i32>} : memref<128xf32, #tpu.memory_space<vmem>>, vector<16xf32>,
      %add3A_59 = arith.addf %scan3A_40#10, %scan3A_40#11 : vector<16xf32>
      %add3A_60 = arith.addf %add3A_59, %scan3A_40#12 : vector<16xf32>
      %add3A_61 = arith.addf %add3A_60, %scan3A_40#13 : vector<16xf32>
      %add3A_62 = arith.addf %add3A_61, %scan3A_40#14 : vector<16xf32>
      %mul3A_63 = arith.constant 2.000000e-01 : f32
      %mul3A_64 = vector.broadcast %mul3A_63 : f32 to vector<16xf32>
      %mul3A_65 = arith.mulf %add3A_62, %mul3A_64 : vector<16xf32>
      %swap3A_66 = arith.constant 32 : index
      %swap3A_67 = tpu.vector_load %arg5[%swap3A_66] {strides = array<i32>} : memref<128xf32, #tpu.memory_space<vmem>>, vector<16xf32>,
      tpu.vector_store %arg5[%swap3A_66], %mul3A_65 {strides = array<i32>} : memref<128xf32, #tpu.memory_space<vmem>>, vector<16xf32>,
      %add3A_68 = arith.addf %scan3A_40#15, %scan3A_40#16 : vector<16xf32>
      %add3A_69 = arith.addf %add3A_68, %scan3A_40#17 : vector<16xf32>
      %add3A_70 = arith.addf %add3A_69, %scan3A_40#18 : vector<16xf32>
      %add3A_71 = arith.addf %add3A_70, %scan3A_40#19 : vector<16xf32>
      %mul3A_72 = arith.constant 2.000000e-01 : f32
      %mul3A_73 = vector.broadcast %mul3A_72 : f32 to vector<16xf32>
      %mul3A_74 = arith.mulf %add3A_71, %mul3A_73 : vector<16xf32>
      %swap3A_75 = arith.constant 48 : index
      %swap3A_76 = tpu.vector_load %arg5[%swap3A_75] {strides = array<i32>} : memref<128xf32, #tpu.memory_space<vmem>>, vector<16xf32>,
      tpu.vector_store %arg5[%swap3A_75], %mul3A_74 {strides = array<i32>} : memref<128xf32, #tpu.memory_space<vmem>>, vector<16xf32>,
      %add3A_77 = arith.addf %scan3A_40#20, %scan3A_40#21 : vector<16xf32>
      %add3A_78 = arith.addf %add3A_77, %scan3A_40#22 : vector<16xf32>
      %add3A_79 = arith.addf %add3A_78, %scan3A_40#23 : vector<16xf32>
      %add3A_80 = arith.addf %add3A_79, %scan3A_40#24 : vector<16xf32>
      %mul3A_81 = arith.constant 2.000000e-01 : f32
      %mul3A_82 = vector.broadcast %mul3A_81 : f32 to vector<16xf32>
      %mul3A_83 = arith.mulf %add3A_80, %mul3A_82 : vector<16xf32>
      %swap3A_84 = arith.constant 64 : index
      %swap3A_85 = tpu.vector_load %arg5[%swap3A_84] {strides = array<i32>} : memref<128xf32, #tpu.memory_space<vmem>>, vector<16xf32>,
      tpu.vector_store %arg5[%swap3A_84], %mul3A_83 {strides = array<i32>} : memref<128xf32, #tpu.memory_space<vmem>>, vector<16xf32>,
      %add3A_86 = arith.addf %scan3A_40#25, %scan3A_40#26 : vector<16xf32>
      %add3A_87 = arith.addf %add3A_86, %scan3A_40#27 : vector<16xf32>
      %add3A_88 = arith.addf %add3A_87, %scan3A_40#28 : vector<16xf32>
      %add3A_89 = arith.addf %add3A_88, %scan3A_40#29 : vector<16xf32>
      %mul3A_90 = arith.constant 2.000000e-01 : f32
      %mul3A_91 = vector.broadcast %mul3A_90 : f32 to vector<16xf32>
      %mul3A_92 = arith.mulf %add3A_89, %mul3A_91 : vector<16xf32>
      %swap3A_93 = arith.constant 80 : index
      %swap3A_94 = tpu.vector_load %arg5[%swap3A_93] {strides = array<i32>} : memref<128xf32, #tpu.memory_space<vmem>>, vector<16xf32>,
      tpu.vector_store %arg5[%swap3A_93], %mul3A_92 {strides = array<i32>} : memref<128xf32, #tpu.memory_space<vmem>>, vector<16xf32>,
      %add3A_95 = arith.addf %scan3A_40#30, %scan3A_40#31 : vector<16xf32>
      %add3A_96 = arith.addf %add3A_95, %scan3A_40#32 : vector<16xf32>
      %add3A_97 = arith.addf %add3A_96, %scan3A_40#33 : vector<16xf32>
      %add3A_98 = arith.addf %add3A_97, %scan3A_40#34 : vector<16xf32>
      %mul3A_99 = arith.constant 2.000000e-01 : f32
      %mul3A_100 = vector.broadcast %mul3A_99 : f32 to vector<16xf32>
      %mul3A_101 = arith.mulf %add3A_98, %mul3A_100 : vector<16xf32>
      %swap3A_102 = arith.constant 96 : index
      %swap3A_103 = tpu.vector_load %arg5[%swap3A_102] {strides = array<i32>} : memref<128xf32, #tpu.memory_space<vmem>>, vector<16xf32>,
      tpu.vector_store %arg5[%swap3A_102], %mul3A_101 {strides = array<i32>} : memref<128xf32, #tpu.memory_space<vmem>>, vector<16xf32>,
      %add3A_104 = arith.addf %scan3A_40#35, %scan3A_40#36 : vector<16xf32>
      %add3A_105 = arith.addf %add3A_104, %scan3A_40#37 : vector<16xf32>
      %add3A_106 = arith.addf %add3A_105, %scan3A_40#38 : vector<16xf32>
      %add3A_107 = arith.addf %add3A_106, %scan3A_40#39 : vector<16xf32>
      %mul3A_108 = arith.constant 2.000000e-01 : f32
      %mul3A_109 = vector.broadcast %mul3A_108 : f32 to vector<16xf32>
      %mul3A_110 = arith.mulf %add3A_107, %mul3A_109 : vector<16xf32>
      %swap3A_111 = arith.constant 112 : index
      %swap3A_112 = tpu.vector_load %arg5[%swap3A_111] {strides = array<i32>} : memref<128xf32, #tpu.memory_space<vmem>>, vector<16xf32>,
      tpu.vector_store %arg5[%swap3A_111], %mul3A_110 {strides = array<i32>} : memref<128xf32, #tpu.memory_space<vmem>>, vector<16xf32>,
      %add3A_113 = arith.addi %add3A_6, %while3A_36 : i32
      "tpu.region"() ({
        %run_scoped3A = tpu.sem_alloc : memref<!tpu.dma_semaphore, #tpu.memory_space<semaphore_mem>>
        %dma_start3A_114 = arith.constant 0 : i32
        %dma_start3A_115 = tpu.memref_slice %arg3[%add3A_113, %dma_start3A_114] : memref<32x128xf32, #tpu.memory_space<hbm>> -> memref<1x128xf32, #tpu.memory_space<hbm>>
        %dma_start3A_116 = tpu.memref_squeeze %dma_start3A_115 : memref<1x128xf32, #tpu.memory_space<hbm>> -> memref<128xf32, #tpu.memory_space<hbm>>
        %dma_start3A_117 = arith.constant 0 : i32
        %dma_start3A_118 = tpu.memref_slice %arg3[%add3A_113, %dma_start3A_117] : memref<32x128xf32, #tpu.memory_space<hbm>> -> memref<1x128xf32, #tpu.memory_space<hbm>>
        %dma_start3A_119 = tpu.memref_squeeze %dma_start3A_118 : memref<1x128xf32, #tpu.memory_space<hbm>> -> memref<128xf32, #tpu.memory_space<hbm>>
        tpu.enqueue_dma source(%arg5 : memref<128xf32, #tpu.memory_space<vmem>>) target(%dma_start3A_119 : memref<128xf32, #tpu.memory_space<hbm>>) target_semaphore(%run_scoped3A : memref<!tpu.dma_semaphore, #tpu.memory_space<semaphore_mem>>)
        %dma_wait3A = arith.constant 0 : i32
        %dma_wait3A_120 = tpu.memref_slice %arg3[%add3A_113, %dma_wait3A] : memref<32x128xf32, #tpu.memory_space<hbm>> -> memref<1x128xf32, #tpu.memory_space<hbm>>
        %dma_wait3A_121 = tpu.memref_squeeze %dma_wait3A_120 : memref<1x128xf32, #tpu.memory_space<hbm>> -> memref<128xf32, #tpu.memory_space<hbm>>
        %dma_wait3A_122 = arith.constant 0 : i32
        %dma_wait3A_123 = tpu.memref_slice %arg3[%add3A_113, %dma_wait3A_122] : memref<32x128xf32, #tpu.memory_space<hbm>> -> memref<1x128xf32, #tpu.memory_space<hbm>>
        %dma_wait3A_124 = tpu.memref_squeeze %dma_wait3A_123 : memref<1x128xf32, #tpu.memory_space<hbm>> -> memref<128xf32, #tpu.memory_space<hbm>>
        tpu.wait_dma2 semaphore(%run_scoped3A : memref<!tpu.dma_semaphore, #tpu.memory_space<semaphore_mem>>) src(%arg5 : memref<128xf32, #tpu.memory_space<vmem>>) dst(%dma_wait3A_124 : memref<128xf32, #tpu.memory_space<hbm>>)
        tpu.yield
      }) : () -> ()
    }
    %while3A_35 = arith.constant 1 : i32
    scf.for %while3A_36 = %while3A_33 to %while3A_29 step %while3A_35  : i32 {
      %scan3A = arith.constant 0 : i32
      %scan3A_37 = arith.constant 16 : i32
      %scan3A_38 = arith.addi %scan3A, %scan3A_37 : i32
      %scan3A_39 = arith.constant 1 : i32
      %scan3A_40:40 = scf.for %scan3A_114 = %scan3A to %scan3A_38 step %scan3A_39 iter_args(%scan3A_115 = %broadcast_in_dim3A_7, %scan3A_116 = %broadcast_in_dim3A_7, %scan3A_117 = %broadcast_in_dim3A_7, %scan3A_118 = %broadcast_in_dim3A_7, %scan3A_119 = %broadcast_in_dim3A_7, %scan3A_120 = %broadcast_in_dim3A_7, %scan3A_121 = %broadcast_in_dim3A_7, %scan3A_122 = %broadcast_in_dim3A_7, %scan3A_123 = %broadcast_in_dim3A_7, %scan3A_124 = %broadcast_in_dim3A_7, %scan3A_125 = %broadcast_in_dim3A_7, %scan3A_126 = %broadcast_in_dim3A_7, %scan3A_127 = %broadcast_in_dim3A_7, %scan3A_128 = %broadcast_in_dim3A_7, %scan3A_129 = %broadcast_in_dim3A_7, %scan3A_130 = %broadcast_in_dim3A_7, %scan3A_131 = %broadcast_in_dim3A_7, %scan3A_132 = %broadcast_in_dim3A_7, %scan3A_133 = %broadcast_in_dim3A_7, %scan3A_134 = %broadcast_in_dim3A_7, %scan3A_135 = %broadcast_in_dim3A_7, %scan3A_136 = %broadcast_in_dim3A_7, %scan3A_137 = %broadcast_in_dim3A_7, %scan3A_138 = %broadcast_in_dim3A_7, %scan3A_139 = %broadcast_in_dim3A_7, %scan3A_140 = %broadcast_in_dim3A_7, %scan3A_141 = %broadcast_in_dim3A_7, %scan3A_142 = %broadcast_in_dim3A_7, %scan3A_143 = %broadcast_in_dim3A_7, %scan3A_144 = %broadcast_in_dim3A_7, %scan3A_145 = %broadcast_in_dim3A_7, %scan3A_146 = %broadcast_in_dim3A_7, %scan3A_147 = %broadcast_in_dim3A_7, %scan3A_148 = %broadcast_in_dim3A_7, %scan3A_149 = %broadcast_in_dim3A_7, %scan3A_150 = %broadcast_in_dim3A_7, %scan3A_151 = %broadcast_in_dim3A_7, %scan3A_152 = %broadcast_in_dim3A_7, %scan3A_153 = %broadcast_in_dim3A_7, %scan3A_154 = %broadcast_in_dim3A_7) -> (vector<16xf32>, vector<16xf32>, vector<16xf32>, vector<16xf32>, vector<16xf32>, vector<16xf32>, vector<16xf32>, vector<16xf32>, vector<16xf32>, vector<16xf32>, vector<16xf32>, vector<16xf32>, vector<16xf32>, vector<16xf32>, vector<16xf32>, vector<16xf32>, vector<16xf32>, vector<16xf32>, vector<16xf32>, vector<16xf32>, vector<16xf32>, vector<16xf32>, vector<16xf32>, vector<16xf32>, vector<16xf32>, vector<16xf32>, vector<16xf32>, vector<16xf32>, vector<16xf32>, vector<16xf32>, vector<16xf32>, vector<16xf32>, vector<16xf32>, vector<16xf32>, vector<16xf32>, vector<16xf32>, vector<16xf32>, vector<16xf32>, vector<16xf32>, vector<16xf32>)  : i32 {
        %add3A_155 = arith.addi %add3A_6, %while3A_36 : i32
        %mul3A_156 = arith.constant 32 : i32
        %mul3A_157 = arith.muli %add3A_155, %mul3A_156 : i32
        %mul3A_158 = arith.constant 2 : i32
        %mul3A_159 = arith.muli %scan3A_114, %mul3A_158 : i32
        %add3A_160 = arith.addi %mul3A_157, %mul3A_159 : i32
        %add3A_161 = arith.constant 0 : i32
        %add3A_162 = arith.addi %add3A_160, %add3A_161 : i32
        %mul3A_163 = arith.constant 128 : i32
        %mul3A_164 = arith.muli %add3A_162, %mul3A_163 : i32
        %dma_wait3A = arith.constant 0 : i32
        %dma_wait3A_165 = arith.constant 0 : i32
        %dma_wait3A_166 = arith.constant 0 : i32
        %dma_wait3A_167 = tpu.memref_slice %arg4[%dma_wait3A, %dma_wait3A_165, %dma_wait3A_166] : memref<2x128x128xf32, #tpu.memory_space<vmem>> -> memref<1x128x128xf32, #tpu.memory_space<vmem>>
        %dma_wait3A_168 = tpu.memref_squeeze %dma_wait3A_167 : memref<1x128x128xf32, #tpu.memory_space<vmem>> -> memref<128x128xf32, #tpu.memory_space<vmem>>
        %dma_wait3A_169 = arith.constant 0 : i32
        %dma_wait3A_170 = tpu.memref_slice %arg2[%mul3A_164, %dma_wait3A_169] : memref<368640x128xf32, #tpu.memory_space<hbm>> -> memref<128x128xf32, #tpu.memory_space<hbm>>
        %dma_wait3A_171 = arith.constant 0 : i32
        %dma_wait3A_172 = arith.constant 0 : i32
        %dma_wait3A_173 = tpu.memref_slice %arg4[%dma_wait3A, %dma_wait3A_171, %dma_wait3A_172] : memref<2x128x128xf32, #tpu.memory_space<vmem>> -> memref<1x128x128xf32, #tpu.memory_space<vmem>>
        %dma_wait3A_174 = tpu.memref_squeeze %dma_wait3A_173 : memref<1x128x128xf32, #tpu.memory_space<vmem>> -> memref<128x128xf32, #tpu.memory_space<vmem>>
        %dma_wait3A_175 = arith.constant 0 : i32
        %dma_wait3A_176 = tpu.memref_slice %arg2[%mul3A_164, %dma_wait3A_175] : memref<368640x128xf32, #tpu.memory_space<hbm>> -> memref<128x128xf32, #tpu.memory_space<hbm>>
        tpu.wait_dma2 semaphore(%arg6 : memref<!tpu.dma_semaphore, #tpu.memory_space<semaphore_mem>>) src(%dma_wait3A_176 : memref<128x128xf32, #tpu.memory_space<hbm>>) dst(%dma_wait3A_174 : memref<128x128xf32, #tpu.memory_space<vmem>>)
        %add3A_177 = arith.constant 1 : i32
        %add3A_178 = arith.addi %add3A_162, %add3A_177 : i32
        %lt3A_179 = arith.cmpi slt, %add3A_178, %mul3A_12 : i32
        %convert_element_type3A = arith.extui %lt3A_179 : i1 to i32
        %cond3A = arith.constant 0 : i32
        %cond3A_180 = arith.cmpi ne, %convert_element_type3A, %cond3A : i32
        scf.if %cond3A_180 {
          %add3A_234 = arith.constant 1 : i32
          %add3A_235 = arith.addi %add3A_162, %add3A_234 : i32
          %mul3A_236 = arith.constant 128 : i32
          %mul3A_237 = arith.muli %add3A_235, %mul3A_236 : i32
          %dma_start3A_238 = arith.constant 1 : i32
          %dma_start3A_239 = arith.constant 0 : i32
          %dma_start3A_240 = arith.constant 0 : i32
          %dma_start3A_241 = tpu.memref_slice %arg4[%dma_start3A_238, %dma_start3A_239, %dma_start3A_240] : memref<2x128x128xf32, #tpu.memory_space<vmem>> -> memref<1x128x128xf32, #tpu.memory_space<vmem>>
          %dma_start3A_242 = tpu.memref_squeeze %dma_start3A_241 : memref<1x128x128xf32, #tpu.memory_space<vmem>> -> memref<128x128xf32, #tpu.memory_space<vmem>>
          %dma_start3A_243 = arith.constant 0 : i32
          %dma_start3A_244 = tpu.memref_slice %arg2[%mul3A_237, %dma_start3A_243] : memref<368640x128xf32, #tpu.memory_space<hbm>> -> memref<128x128xf32, #tpu.memory_space<hbm>>
          %dma_start3A_245 = arith.constant 0 : i32
          %dma_start3A_246 = arith.constant 0 : i32
          %dma_start3A_247 = tpu.memref_slice %arg4[%dma_start3A_238, %dma_start3A_245, %dma_start3A_246] : memref<2x128x128xf32, #tpu.memory_space<vmem>> -> memref<1x128x128xf32, #tpu.memory_space<vmem>>
          %dma_start3A_248 = tpu.memref_squeeze %dma_start3A_247 : memref<1x128x128xf32, #tpu.memory_space<vmem>> -> memref<128x128xf32, #tpu.memory_space<vmem>>
          %dma_start3A_249 = arith.constant 0 : i32
          %dma_start3A_250 = tpu.memref_slice %arg2[%mul3A_237, %dma_start3A_249] : memref<368640x128xf32, #tpu.memory_space<hbm>> -> memref<128x128xf32, #tpu.memory_space<hbm>>
          tpu.enqueue_dma source(%dma_start3A_250 : memref<128x128xf32, #tpu.memory_space<hbm>>) target(%dma_start3A_248 : memref<128x128xf32, #tpu.memory_space<vmem>>) target_semaphore(%arg7 : memref<!tpu.dma_semaphore, #tpu.memory_space<semaphore_mem>>)
        } else {
        }
        %scan3A_181 = arith.constant 0 : i32
        %scan3A_182 = arith.constant 64 : i32
        %scan3A_183 = arith.addi %scan3A_181, %scan3A_182 : i32
        %scan3A_184 = arith.constant 1 : i32
        %scan3A_185:20 = scf.for %scan3A_234 = %scan3A_181 to %scan3A_183 step %scan3A_184 iter_args(%scan3A_235 = %scan3A_115, %scan3A_236 = %scan3A_116, %scan3A_237 = %scan3A_117, %scan3A_238 = %scan3A_118, %scan3A_239 = %scan3A_119, %scan3A_240 = %scan3A_120, %scan3A_241 = %scan3A_121, %scan3A_242 = %scan3A_122, %scan3A_243 = %scan3A_123, %scan3A_244 = %scan3A_124, %scan3A_245 = %scan3A_125, %scan3A_246 = %scan3A_126, %scan3A_247 = %scan3A_127, %scan3A_248 = %scan3A_128, %scan3A_249 = %scan3A_129, %scan3A_250 = %scan3A_130, %scan3A_251 = %scan3A_131, %scan3A_252 = %scan3A_132, %scan3A_253 = %scan3A_133, %scan3A_254 = %scan3A_134) -> (vector<16xf32>, vector<16xf32>, vector<16xf32>, vector<16xf32>, vector<16xf32>, vector<16xf32>, vector<16xf32>, vector<16xf32>, vector<16xf32>, vector<16xf32>, vector<16xf32>, vector<16xf32>, vector<16xf32>, vector<16xf32>, vector<16xf32>, vector<16xf32>, vector<16xf32>, vector<16xf32>, vector<16xf32>, vector<16xf32>)  : i32 {
          %mul3A_255 = arith.constant 2 : i32
          %mul3A_256 = arith.muli %scan3A_234, %mul3A_255 : i32
          %add3A_257 = arith.constant 0 : i32
          %add3A_258 = arith.addi %mul3A_256, %add3A_257 : i32
          %get3A = arith.constant 0 : i32
          %get3A_259 = arith.index_cast %get3A : i32 to index
          %get3A_260 = arith.index_cast %add3A_258 : i32 to index
          %get3A_261 = arith.constant 0 : index
          %get3A_262 = tpu.vector_load %arg4[%get3A_259, %get3A_260, %get3A_261] {strides = array<i32>} : memref<2x128x128xf32, #tpu.memory_space<vmem>>, vector<16xf32>,
          %max3A = arith.maximumf %scan3A_235, %get3A_262 : vector<16xf32>
          %min3A_263 = arith.minimumf %scan3A_235, %get3A_262 : vector<16xf32>
          %max3A_264 = arith.maximumf %scan3A_236, %min3A_263 : vector<16xf32>
          %min3A_265 = arith.minimumf %scan3A_236, %min3A_263 : vector<16xf32>
          %max3A_266 = arith.maximumf %scan3A_237, %min3A_265 : vector<16xf32>
          %min3A_267 = arith.minimumf %scan3A_237, %min3A_265 : vector<16xf32>
          %max3A_268 = arith.maximumf %scan3A_238, %min3A_267 : vector<16xf32>
          %min3A_269 = arith.minimumf %scan3A_238, %min3A_267 : vector<16xf32>
          %max3A_270 = arith.maximumf %scan3A_239, %min3A_269 : vector<16xf32>
          %mul3A_271 = arith.constant 2 : i32
          %mul3A_272 = arith.muli %scan3A_234, %mul3A_271 : i32
          %add3A_273 = arith.constant 0 : i32
          %add3A_274 = arith.addi %mul3A_272, %add3A_273 : i32
          %get3A_275 = arith.constant 0 : i32
          %get3A_276 = arith.index_cast %get3A_275 : i32 to index
          %get3A_277 = arith.index_cast %add3A_274 : i32 to index
          %get3A_278 = arith.constant 16 : index
          %get3A_279 = tpu.vector_load %arg4[%get3A_276, %get3A_277, %get3A_278] {strides = array<i32>} : memref<2x128x128xf32, #tpu.memory_space<vmem>>, vector<16xf32>,
          %max3A_280 = arith.maximumf %scan3A_240, %get3A_279 : vector<16xf32>
          %min3A_281 = arith.minimumf %scan3A_240, %get3A_279 : vector<16xf32>
          %max3A_282 = arith.maximumf %scan3A_241, %min3A_281 : vector<16xf32>
          %min3A_283 = arith.minimumf %scan3A_241, %min3A_281 : vector<16xf32>
          %max3A_284 = arith.maximumf %scan3A_242, %min3A_283 : vector<16xf32>
          %min3A_285 = arith.minimumf %scan3A_242, %min3A_283 : vector<16xf32>
          %max3A_286 = arith.maximumf %scan3A_243, %min3A_285 : vector<16xf32>
          %min3A_287 = arith.minimumf %scan3A_243, %min3A_285 : vector<16xf32>
          %max3A_288 = arith.maximumf %scan3A_244, %min3A_287 : vector<16xf32>
          %mul3A_289 = arith.constant 2 : i32
          %mul3A_290 = arith.muli %scan3A_234, %mul3A_289 : i32
          %add3A_291 = arith.constant 0 : i32
          %add3A_292 = arith.addi %mul3A_290, %add3A_291 : i32
          %get3A_293 = arith.constant 0 : i32
          %get3A_294 = arith.index_cast %get3A_293 : i32 to index
          %get3A_295 = arith.index_cast %add3A_292 : i32 to index
          %get3A_296 = arith.constant 32 : index
          %get3A_297 = tpu.vector_load %arg4[%get3A_294, %get3A_295, %get3A_296] {strides = array<i32>} : memref<2x128x128xf32, #tpu.memory_space<vmem>>, vector<16xf32>,
          %max3A_298 = arith.maximumf %scan3A_245, %get3A_297 : vector<16xf32>
          %min3A_299 = arith.minimumf %scan3A_245, %get3A_297 : vector<16xf32>
          %max3A_300 = arith.maximumf %scan3A_246, %min3A_299 : vector<16xf32>
          %min3A_301 = arith.minimumf %scan3A_246, %min3A_299 : vector<16xf32>
          %max3A_302 = arith.maximumf %scan3A_247, %min3A_301 : vector<16xf32>
          %min3A_303 = arith.minimumf %scan3A_247, %min3A_301 : vector<16xf32>
          %max3A_304 = arith.maximumf %scan3A_248, %min3A_303 : vector<16xf32>
          %min3A_305 = arith.minimumf %scan3A_248, %min3A_303 : vector<16xf32>
          %max3A_306 = arith.maximumf %scan3A_249, %min3A_305 : vector<16xf32>
          %mul3A_307 = arith.constant 2 : i32
          %mul3A_308 = arith.muli %scan3A_234, %mul3A_307 : i32
          %add3A_309 = arith.constant 0 : i32
          %add3A_310 = arith.addi %mul3A_308, %add3A_309 : i32
          %get3A_311 = arith.constant 0 : i32
          %get3A_312 = arith.index_cast %get3A_311 : i32 to index
          %get3A_313 = arith.index_cast %add3A_310 : i32 to index
          %get3A_314 = arith.constant 48 : index
          %get3A_315 = tpu.vector_load %arg4[%get3A_312, %get3A_313, %get3A_314] {strides = array<i32>} : memref<2x128x128xf32, #tpu.memory_space<vmem>>, vector<16xf32>,
          %max3A_316 = arith.maximumf %scan3A_250, %get3A_315 : vector<16xf32>
          %min3A_317 = arith.minimumf %scan3A_250, %get3A_315 : vector<16xf32>
          %max3A_318 = arith.maximumf %scan3A_251, %min3A_317 : vector<16xf32>
          %min3A_319 = arith.minimumf %scan3A_251, %min3A_317 : vector<16xf32>
          %max3A_320 = arith.maximumf %scan3A_252, %min3A_319 : vector<16xf32>
          %min3A_321 = arith.minimumf %scan3A_252, %min3A_319 : vector<16xf32>
          %max3A_322 = arith.maximumf %scan3A_253, %min3A_321 : vector<16xf32>
          %min3A_323 = arith.minimumf %scan3A_253, %min3A_321 : vector<16xf32>
          %max3A_324 = arith.maximumf %scan3A_254, %min3A_323 : vector<16xf32>
          %mul3A_325 = arith.constant 2 : i32
          %mul3A_326 = arith.muli %scan3A_234, %mul3A_325 : i32
          %add3A_327 = arith.constant 1 : i32
          %add3A_328 = arith.addi %mul3A_326, %add3A_327 : i32
          %get3A_329 = arith.constant 0 : i32
          %get3A_330 = arith.index_cast %get3A_329 : i32 to index
          %get3A_331 = arith.index_cast %add3A_328 : i32 to index
          %get3A_332 = arith.constant 0 : index
          %get3A_333 = tpu.vector_load %arg4[%get3A_330, %get3A_331, %get3A_332] {strides = array<i32>} : memref<2x128x128xf32, #tpu.memory_space<vmem>>, vector<16xf32>,
          %max3A_334 = arith.maximumf %max3A, %get3A_333 : vector<16xf32>
          %min3A_335 = arith.minimumf %max3A, %get3A_333 : vector<16xf32>
          %max3A_336 = arith.maximumf %max3A_264, %min3A_335 : vector<16xf32>
          %min3A_337 = arith.minimumf %max3A_264, %min3A_335 : vector<16xf32>
          %max3A_338 = arith.maximumf %max3A_266, %min3A_337 : vector<16xf32>
          %min3A_339 = arith.minimumf %max3A_266, %min3A_337 : vector<16xf32>
          %max3A_340 = arith.maximumf %max3A_268, %min3A_339 : vector<16xf32>
          %min3A_341 = arith.minimumf %max3A_268, %min3A_339 : vector<16xf32>
          %max3A_342 = arith.maximumf %max3A_270, %min3A_341 : vector<16xf32>
          %mul3A_343 = arith.constant 2 : i32
          %mul3A_344 = arith.muli %scan3A_234, %mul3A_343 : i32
          %add3A_345 = arith.constant 1 : i32
          %add3A_346 = arith.addi %mul3A_344, %add3A_345 : i32
          %get3A_347 = arith.constant 0 : i32
          %get3A_348 = arith.index_cast %get3A_347 : i32 to index
          %get3A_349 = arith.index_cast %add3A_346 : i32 to index
          %get3A_350 = arith.constant 16 : index
          %get3A_351 = tpu.vector_load %arg4[%get3A_348, %get3A_349, %get3A_350] {strides = array<i32>} : memref<2x128x128xf32, #tpu.memory_space<vmem>>, vector<16xf32>,
          %max3A_352 = arith.maximumf %max3A_280, %get3A_351 : vector<16xf32>
          %min3A_353 = arith.minimumf %max3A_280, %get3A_351 : vector<16xf32>
          %max3A_354 = arith.maximumf %max3A_282, %min3A_353 : vector<16xf32>
          %min3A_355 = arith.minimumf %max3A_282, %min3A_353 : vector<16xf32>
          %max3A_356 = arith.maximumf %max3A_284, %min3A_355 : vector<16xf32>
          %min3A_357 = arith.minimumf %max3A_284, %min3A_355 : vector<16xf32>
          %max3A_358 = arith.maximumf %max3A_286, %min3A_357 : vector<16xf32>
          %min3A_359 = arith.minimumf %max3A_286, %min3A_357 : vector<16xf32>
          %max3A_360 = arith.maximumf %max3A_288, %min3A_359 : vector<16xf32>
          %mul3A_361 = arith.constant 2 : i32
          %mul3A_362 = arith.muli %scan3A_234, %mul3A_361 : i32
          %add3A_363 = arith.constant 1 : i32
          %add3A_364 = arith.addi %mul3A_362, %add3A_363 : i32
          %get3A_365 = arith.constant 0 : i32
          %get3A_366 = arith.index_cast %get3A_365 : i32 to index
          %get3A_367 = arith.index_cast %add3A_364 : i32 to index
          %get3A_368 = arith.constant 32 : index
          %get3A_369 = tpu.vector_load %arg4[%get3A_366, %get3A_367, %get3A_368] {strides = array<i32>} : memref<2x128x128xf32, #tpu.memory_space<vmem>>, vector<16xf32>,
          %max3A_370 = arith.maximumf %max3A_298, %get3A_369 : vector<16xf32>
          %min3A_371 = arith.minimumf %max3A_298, %get3A_369 : vector<16xf32>
          %max3A_372 = arith.maximumf %max3A_300, %min3A_371 : vector<16xf32>
          %min3A_373 = arith.minimumf %max3A_300, %min3A_371 : vector<16xf32>
          %max3A_374 = arith.maximumf %max3A_302, %min3A_373 : vector<16xf32>
          %min3A_375 = arith.minimumf %max3A_302, %min3A_373 : vector<16xf32>
          %max3A_376 = arith.maximumf %max3A_304, %min3A_375 : vector<16xf32>
          %min3A_377 = arith.minimumf %max3A_304, %min3A_375 : vector<16xf32>
          %max3A_378 = arith.maximumf %max3A_306, %min3A_377 : vector<16xf32>
          %mul3A_379 = arith.constant 2 : i32
          %mul3A_380 = arith.muli %scan3A_234, %mul3A_379 : i32
          %add3A_381 = arith.constant 1 : i32
          %add3A_382 = arith.addi %mul3A_380, %add3A_381 : i32
          %get3A_383 = arith.constant 0 : i32
          %get3A_384 = arith.index_cast %get3A_383 : i32 to index
          %get3A_385 = arith.index_cast %add3A_382 : i32 to index
          %get3A_386 = arith.constant 48 : index
          %get3A_387 = tpu.vector_load %arg4[%get3A_384, %get3A_385, %get3A_386] {strides = array<i32>} : memref<2x128x128xf32, #tpu.memory_space<vmem>>, vector<16xf32>,
          %max3A_388 = arith.maximumf %max3A_316, %get3A_387 : vector<16xf32>
          %min3A_389 = arith.minimumf %max3A_316, %get3A_387 : vector<16xf32>
          %max3A_390 = arith.maximumf %max3A_318, %min3A_389 : vector<16xf32>
          %min3A_391 = arith.minimumf %max3A_318, %min3A_389 : vector<16xf32>
          %max3A_392 = arith.maximumf %max3A_320, %min3A_391 : vector<16xf32>
          %min3A_393 = arith.minimumf %max3A_320, %min3A_391 : vector<16xf32>
          %max3A_394 = arith.maximumf %max3A_322, %min3A_393 : vector<16xf32>
          %min3A_395 = arith.minimumf %max3A_322, %min3A_393 : vector<16xf32>
          %max3A_396 = arith.maximumf %max3A_324, %min3A_395 : vector<16xf32>
          scf.yield %max3A_334, %max3A_336, %max3A_338, %max3A_340, %max3A_342, %max3A_352, %max3A_354, %max3A_356, %max3A_358, %max3A_360, %max3A_370, %max3A_372, %max3A_374, %max3A_376, %max3A_378, %max3A_388, %max3A_390, %max3A_392, %max3A_394, %max3A_396 : vector<16xf32>, vector<16xf32>, vector<16xf32>, vector<16xf32>, vector<16xf32>, vector<16xf32>, vector<16xf32>, vector<16xf32>, vector<16xf32>, vector<16xf32>, vector<16xf32>, vector<16xf32>, vector<16xf32>, vector<16xf32>, vector<16xf32>, vector<16xf32>, vector<16xf32>, vector<16xf32>, vector<16xf32>, vector<16xf32>
        }
        %scan3A_186 = arith.constant 64 : i32
        %scan3A_187 = arith.constant 0 : i32
        %scan3A_188 = arith.constant 64 : i32
        %scan3A_189 = arith.addi %scan3A_187, %scan3A_188 : i32
        %scan3A_190 = arith.constant 1 : i32
        %scan3A_191:20 = scf.for %scan3A_234 = %scan3A_187 to %scan3A_189 step %scan3A_190 iter_args(%scan3A_235 = %scan3A_135, %scan3A_236 = %scan3A_136, %scan3A_237 = %scan3A_137, %scan3A_238 = %scan3A_138, %scan3A_239 = %scan3A_139, %scan3A_240 = %scan3A_140, %scan3A_241 = %scan3A_141, %scan3A_242 = %scan3A_142, %scan3A_243 = %scan3A_143, %scan3A_244 = %scan3A_144, %scan3A_245 = %scan3A_145, %scan3A_246 = %scan3A_146, %scan3A_247 = %scan3A_147, %scan3A_248 = %scan3A_148, %scan3A_249 = %scan3A_149, %scan3A_250 = %scan3A_150, %scan3A_251 = %scan3A_151, %scan3A_252 = %scan3A_152, %scan3A_253 = %scan3A_153, %scan3A_254 = %scan3A_154) -> (vector<16xf32>, vector<16xf32>, vector<16xf32>, vector<16xf32>, vector<16xf32>, vector<16xf32>, vector<16xf32>, vector<16xf32>, vector<16xf32>, vector<16xf32>, vector<16xf32>, vector<16xf32>, vector<16xf32>, vector<16xf32>, vector<16xf32>, vector<16xf32>, vector<16xf32>, vector<16xf32>, vector<16xf32>, vector<16xf32>)  : i32 {
          %mul3A_255 = arith.constant 2 : i32
          %mul3A_256 = arith.muli %scan3A_234, %mul3A_255 : i32
          %add3A_257 = arith.constant 0 : i32
          %add3A_258 = arith.addi %mul3A_256, %add3A_257 : i32
          %get3A = arith.constant 0 : i32
          %get3A_259 = arith.index_cast %get3A : i32 to index
          %get3A_260 = arith.index_cast %add3A_258 : i32 to index
          %get3A_261 = arith.constant 64 : index
          %get3A_262 = tpu.vector_load %arg4[%get3A_259, %get3A_260, %get3A_261] {strides = array<i32>} : memref<2x128x128xf32, #tpu.memory_space<vmem>>, vector<16xf32>,
          %max3A = arith.maximumf %scan3A_235, %get3A_262 : vector<16xf32>
          %min3A_263 = arith.minimumf %scan3A_235, %get3A_262 : vector<16xf32>
          %max3A_264 = arith.maximumf %scan3A_236, %min3A_263 : vector<16xf32>
          %min3A_265 = arith.minimumf %scan3A_236, %min3A_263 : vector<16xf32>
          %max3A_266 = arith.maximumf %scan3A_237, %min3A_265 : vector<16xf32>
          %min3A_267 = arith.minimumf %scan3A_237, %min3A_265 : vector<16xf32>
          %max3A_268 = arith.maximumf %scan3A_238, %min3A_267 : vector<16xf32>
          %min3A_269 = arith.minimumf %scan3A_238, %min3A_267 : vector<16xf32>
          %max3A_270 = arith.maximumf %scan3A_239, %min3A_269 : vector<16xf32>
          %mul3A_271 = arith.constant 2 : i32
          %mul3A_272 = arith.muli %scan3A_234, %mul3A_271 : i32
          %add3A_273 = arith.constant 0 : i32
          %add3A_274 = arith.addi %mul3A_272, %add3A_273 : i32
          %get3A_275 = arith.constant 0 : i32
          %get3A_276 = arith.index_cast %get3A_275 : i32 to index
          %get3A_277 = arith.index_cast %add3A_274 : i32 to index
          %get3A_278 = arith.constant 80 : index
          %get3A_279 = tpu.vector_load %arg4[%get3A_276, %get3A_277, %get3A_278] {strides = array<i32>} : memref<2x128x128xf32, #tpu.memory_space<vmem>>, vector<16xf32>,
          %max3A_280 = arith.maximumf %scan3A_240, %get3A_279 : vector<16xf32>
          %min3A_281 = arith.minimumf %scan3A_240, %get3A_279 : vector<16xf32>
          %max3A_282 = arith.maximumf %scan3A_241, %min3A_281 : vector<16xf32>
          %min3A_283 = arith.minimumf %scan3A_241, %min3A_281 : vector<16xf32>
          %max3A_284 = arith.maximumf %scan3A_242, %min3A_283 : vector<16xf32>
          %min3A_285 = arith.minimumf %scan3A_242, %min3A_283 : vector<16xf32>
          %max3A_286 = arith.maximumf %scan3A_243, %min3A_285 : vector<16xf32>
          %min3A_287 = arith.minimumf %scan3A_243, %min3A_285 : vector<16xf32>
          %max3A_288 = arith.maximumf %scan3A_244, %min3A_287 : vector<16xf32>
          %mul3A_289 = arith.constant 2 : i32
          %mul3A_290 = arith.muli %scan3A_234, %mul3A_289 : i32
          %add3A_291 = arith.constant 0 : i32
          %add3A_292 = arith.addi %mul3A_290, %add3A_291 : i32
          %get3A_293 = arith.constant 0 : i32
          %get3A_294 = arith.index_cast %get3A_293 : i32 to index
          %get3A_295 = arith.index_cast %add3A_292 : i32 to index
          %get3A_296 = arith.constant 96 : index
          %get3A_297 = tpu.vector_load %arg4[%get3A_294, %get3A_295, %get3A_296] {strides = array<i32>} : memref<2x128x128xf32, #tpu.memory_space<vmem>>, vector<16xf32>,
          %max3A_298 = arith.maximumf %scan3A_245, %get3A_297 : vector<16xf32>
          %min3A_299 = arith.minimumf %scan3A_245, %get3A_297 : vector<16xf32>
          %max3A_300 = arith.maximumf %scan3A_246, %min3A_299 : vector<16xf32>
          %min3A_301 = arith.minimumf %scan3A_246, %min3A_299 : vector<16xf32>
          %max3A_302 = arith.maximumf %scan3A_247, %min3A_301 : vector<16xf32>
          %min3A_303 = arith.minimumf %scan3A_247, %min3A_301 : vector<16xf32>
          %max3A_304 = arith.maximumf %scan3A_248, %min3A_303 : vector<16xf32>
          %min3A_305 = arith.minimumf %scan3A_248, %min3A_303 : vector<16xf32>
          %max3A_306 = arith.maximumf %scan3A_249, %min3A_305 : vector<16xf32>
          %mul3A_307 = arith.constant 2 : i32
          %mul3A_308 = arith.muli %scan3A_234, %mul3A_307 : i32
          %add3A_309 = arith.constant 0 : i32
          %add3A_310 = arith.addi %mul3A_308, %add3A_309 : i32
          %get3A_311 = arith.constant 0 : i32
          %get3A_312 = arith.index_cast %get3A_311 : i32 to index
          %get3A_313 = arith.index_cast %add3A_310 : i32 to index
          %get3A_314 = arith.constant 112 : index
          %get3A_315 = tpu.vector_load %arg4[%get3A_312, %get3A_313, %get3A_314] {strides = array<i32>} : memref<2x128x128xf32, #tpu.memory_space<vmem>>, vector<16xf32>,
          %max3A_316 = arith.maximumf %scan3A_250, %get3A_315 : vector<16xf32>
          %min3A_317 = arith.minimumf %scan3A_250, %get3A_315 : vector<16xf32>
          %max3A_318 = arith.maximumf %scan3A_251, %min3A_317 : vector<16xf32>
          %min3A_319 = arith.minimumf %scan3A_251, %min3A_317 : vector<16xf32>
          %max3A_320 = arith.maximumf %scan3A_252, %min3A_319 : vector<16xf32>
          %min3A_321 = arith.minimumf %scan3A_252, %min3A_319 : vector<16xf32>
          %max3A_322 = arith.maximumf %scan3A_253, %min3A_321 : vector<16xf32>
          %min3A_323 = arith.minimumf %scan3A_253, %min3A_321 : vector<16xf32>
          %max3A_324 = arith.maximumf %scan3A_254, %min3A_323 : vector<16xf32>
          %mul3A_325 = arith.constant 2 : i32
          %mul3A_326 = arith.muli %scan3A_234, %mul3A_325 : i32
          %add3A_327 = arith.constant 1 : i32
          %add3A_328 = arith.addi %mul3A_326, %add3A_327 : i32
          %get3A_329 = arith.constant 0 : i32
          %get3A_330 = arith.index_cast %get3A_329 : i32 to index
          %get3A_331 = arith.index_cast %add3A_328 : i32 to index
          %get3A_332 = arith.constant 64 : index
          %get3A_333 = tpu.vector_load %arg4[%get3A_330, %get3A_331, %get3A_332] {strides = array<i32>} : memref<2x128x128xf32, #tpu.memory_space<vmem>>, vector<16xf32>,
          %max3A_334 = arith.maximumf %max3A, %get3A_333 : vector<16xf32>
          %min3A_335 = arith.minimumf %max3A, %get3A_333 : vector<16xf32>
          %max3A_336 = arith.maximumf %max3A_264, %min3A_335 : vector<16xf32>
          %min3A_337 = arith.minimumf %max3A_264, %min3A_335 : vector<16xf32>
          %max3A_338 = arith.maximumf %max3A_266, %min3A_337 : vector<16xf32>
          %min3A_339 = arith.minimumf %max3A_266, %min3A_337 : vector<16xf32>
          %max3A_340 = arith.maximumf %max3A_268, %min3A_339 : vector<16xf32>
          %min3A_341 = arith.minimumf %max3A_268, %min3A_339 : vector<16xf32>
          %max3A_342 = arith.maximumf %max3A_270, %min3A_341 : vector<16xf32>
          %mul3A_343 = arith.constant 2 : i32
          %mul3A_344 = arith.muli %scan3A_234, %mul3A_343 : i32
          %add3A_345 = arith.constant 1 : i32
          %add3A_346 = arith.addi %mul3A_344, %add3A_345 : i32
          %get3A_347 = arith.constant 0 : i32
          %get3A_348 = arith.index_cast %get3A_347 : i32 to index
          %get3A_349 = arith.index_cast %add3A_346 : i32 to index
          %get3A_350 = arith.constant 80 : index
          %get3A_351 = tpu.vector_load %arg4[%get3A_348, %get3A_349, %get3A_350] {strides = array<i32>} : memref<2x128x128xf32, #tpu.memory_space<vmem>>, vector<16xf32>,
          %max3A_352 = arith.maximumf %max3A_280, %get3A_351 : vector<16xf32>
          %min3A_353 = arith.minimumf %max3A_280, %get3A_351 : vector<16xf32>
          %max3A_354 = arith.maximumf %max3A_282, %min3A_353 : vector<16xf32>
          %min3A_355 = arith.minimumf %max3A_282, %min3A_353 : vector<16xf32>
          %max3A_356 = arith.maximumf %max3A_284, %min3A_355 : vector<16xf32>
          %min3A_357 = arith.minimumf %max3A_284, %min3A_355 : vector<16xf32>
          %max3A_358 = arith.maximumf %max3A_286, %min3A_357 : vector<16xf32>
          %min3A_359 = arith.minimumf %max3A_286, %min3A_357 : vector<16xf32>
          %max3A_360 = arith.maximumf %max3A_288, %min3A_359 : vector<16xf32>
          %mul3A_361 = arith.constant 2 : i32
          %mul3A_362 = arith.muli %scan3A_234, %mul3A_361 : i32
          %add3A_363 = arith.constant 1 : i32
          %add3A_364 = arith.addi %mul3A_362, %add3A_363 : i32
          %get3A_365 = arith.constant 0 : i32
          %get3A_366 = arith.index_cast %get3A_365 : i32 to index
          %get3A_367 = arith.index_cast %add3A_364 : i32 to index
          %get3A_368 = arith.constant 96 : index
          %get3A_369 = tpu.vector_load %arg4[%get3A_366, %get3A_367, %get3A_368] {strides = array<i32>} : memref<2x128x128xf32, #tpu.memory_space<vmem>>, vector<16xf32>,
          %max3A_370 = arith.maximumf %max3A_298, %get3A_369 : vector<16xf32>
          %min3A_371 = arith.minimumf %max3A_298, %get3A_369 : vector<16xf32>
          %max3A_372 = arith.maximumf %max3A_300, %min3A_371 : vector<16xf32>
          %min3A_373 = arith.minimumf %max3A_300, %min3A_371 : vector<16xf32>
          %max3A_374 = arith.maximumf %max3A_302, %min3A_373 : vector<16xf32>
          %min3A_375 = arith.minimumf %max3A_302, %min3A_373 : vector<16xf32>
          %max3A_376 = arith.maximumf %max3A_304, %min3A_375 : vector<16xf32>
          %min3A_377 = arith.minimumf %max3A_304, %min3A_375 : vector<16xf32>
          %max3A_378 = arith.maximumf %max3A_306, %min3A_377 : vector<16xf32>
          %mul3A_379 = arith.constant 2 : i32
          %mul3A_380 = arith.muli %scan3A_234, %mul3A_379 : i32
          %add3A_381 = arith.constant 1 : i32
          %add3A_382 = arith.addi %mul3A_380, %add3A_381 : i32
          %get3A_383 = arith.constant 0 : i32
          %get3A_384 = arith.index_cast %get3A_383 : i32 to index
          %get3A_385 = arith.index_cast %add3A_382 : i32 to index
          %get3A_386 = arith.constant 112 : index
          %get3A_387 = tpu.vector_load %arg4[%get3A_384, %get3A_385, %get3A_386] {strides = array<i32>} : memref<2x128x128xf32, #tpu.memory_space<vmem>>, vector<16xf32>,
          %max3A_388 = arith.maximumf %max3A_316, %get3A_387 : vector<16xf32>
          %min3A_389 = arith.minimumf %max3A_316, %get3A_387 : vector<16xf32>
          %max3A_390 = arith.maximumf %max3A_318, %min3A_389 : vector<16xf32>
          %min3A_391 = arith.minimumf %max3A_318, %min3A_389 : vector<16xf32>
          %max3A_392 = arith.maximumf %max3A_320, %min3A_391 : vector<16xf32>
          %min3A_393 = arith.minimumf %max3A_320, %min3A_391 : vector<16xf32>
          %max3A_394 = arith.maximumf %max3A_322, %min3A_393 : vector<16xf32>
          %min3A_395 = arith.minimumf %max3A_322, %min3A_393 : vector<16xf32>
          %max3A_396 = arith.maximumf %max3A_324, %min3A_395 : vector<16xf32>
          scf.yield %max3A_334, %max3A_336, %max3A_338, %max3A_340, %max3A_342, %max3A_352, %max3A_354, %max3A_356, %max3A_358, %max3A_360, %max3A_370, %max3A_372, %max3A_374, %max3A_376, %max3A_378, %max3A_388, %max3A_390, %max3A_392, %max3A_394, %max3A_396 : vector<16xf32>, vector<16xf32>, vector<16xf32>, vector<16xf32>, vector<16xf32>, vector<16xf32>, vector<16xf32>, vector<16xf32>, vector<16xf32>, vector<16xf32>, vector<16xf32>, vector<16xf32>, vector<16xf32>, vector<16xf32>, vector<16xf32>, vector<16xf32>, vector<16xf32>, vector<16xf32>, vector<16xf32>, vector<16xf32>
        }
        %scan3A_192 = arith.constant 64 : i32
        %add3A_193 = arith.addi %add3A_6, %while3A_36 : i32
        %mul3A_194 = arith.constant 32 : i32
        %mul3A_195 = arith.muli %add3A_193, %mul3A_194 : i32
        %mul3A_196 = arith.constant 2 : i32
        %mul3A_197 = arith.muli %scan3A_114, %mul3A_196 : i32
        %add3A_198 = arith.addi %mul3A_195, %mul3A_197 : i32
        %add3A_199 = arith.constant 1 : i32
        %add3A_200 = arith.addi %add3A_198, %add3A_199 : i32
        %mul3A_201 = arith.constant 128 : i32
        %mul3A_202 = arith.muli %add3A_200, %mul3A_201 : i32
        %dma_wait3A_203 = arith.constant 1 : i32
        %dma_wait3A_204 = arith.constant 0 : i32
        %dma_wait3A_205 = arith.constant 0 : i32
        %dma_wait3A_206 = tpu.memref_slice %arg4[%dma_wait3A_203, %dma_wait3A_204, %dma_wait3A_205] : memref<2x128x128xf32, #tpu.memory_space<vmem>> -> memref<1x128x128xf32, #tpu.memory_space<vmem>>
        %dma_wait3A_207 = tpu.memref_squeeze %dma_wait3A_206 : memref<1x128x128xf32, #tpu.memory_space<vmem>> -> memref<128x128xf32, #tpu.memory_space<vmem>>
        %dma_wait3A_208 = arith.constant 0 : i32
        %dma_wait3A_209 = tpu.memref_slice %arg2[%mul3A_202, %dma_wait3A_208] : memref<368640x128xf32, #tpu.memory_space<hbm>> -> memref<128x128xf32, #tpu.memory_space<hbm>>
        %dma_wait3A_210 = arith.constant 0 : i32
        %dma_wait3A_211 = arith.constant 0 : i32
        %dma_wait3A_212 = tpu.memref_slice %arg4[%dma_wait3A_203, %dma_wait3A_210, %dma_wait3A_211] : memref<2x128x128xf32, #tpu.memory_space<vmem>> -> memref<1x128x128xf32, #tpu.memory_space<vmem>>
        %dma_wait3A_213 = tpu.memref_squeeze %dma_wait3A_212 : memref<1x128x128xf32, #tpu.memory_space<vmem>> -> memref<128x128xf32, #tpu.memory_space<vmem>>
        %dma_wait3A_214 = arith.constant 0 : i32
        %dma_wait3A_215 = tpu.memref_slice %arg2[%mul3A_202, %dma_wait3A_214] : memref<368640x128xf32, #tpu.memory_space<hbm>> -> memref<128x128xf32, #tpu.memory_space<hbm>>
        tpu.wait_dma2 semaphore(%arg7 : memref<!tpu.dma_semaphore, #tpu.memory_space<semaphore_mem>>) src(%dma_wait3A_215 : memref<128x128xf32, #tpu.memory_space<hbm>>) dst(%dma_wait3A_213 : memref<128x128xf32, #tpu.memory_space<vmem>>)
        %add3A_216 = arith.constant 1 : i32
        %add3A_217 = arith.addi %add3A_200, %add3A_216 : i32
        %lt3A_218 = arith.cmpi slt, %add3A_217, %mul3A_12 : i32
        %convert_element_type3A_219 = arith.extui %lt3A_218 : i1 to i32
        %cond3A_220 = arith.constant 0 : i32
        %cond3A_221 = arith.cmpi ne, %convert_element_type3A_219, %cond3A_220 : i32
        scf.if %cond3A_221 {
          %add3A_234 = arith.constant 1 : i32
          %add3A_235 = arith.addi %add3A_200, %add3A_234 : i32
          %mul3A_236 = arith.constant 128 : i32
          %mul3A_237 = arith.muli %add3A_235, %mul3A_236 : i32
          %dma_start3A_238 = arith.constant 0 : i32
          %dma_start3A_239 = arith.constant 0 : i32
          %dma_start3A_240 = arith.constant 0 : i32
          %dma_start3A_241 = tpu.memref_slice %arg4[%dma_start3A_238, %dma_start3A_239, %dma_start3A_240] : memref<2x128x128xf32, #tpu.memory_space<vmem>> -> memref<1x128x128xf32, #tpu.memory_space<vmem>>
          %dma_start3A_242 = tpu.memref_squeeze %dma_start3A_241 : memref<1x128x128xf32, #tpu.memory_space<vmem>> -> memref<128x128xf32, #tpu.memory_space<vmem>>
          %dma_start3A_243 = arith.constant 0 : i32
          %dma_start3A_244 = tpu.memref_slice %arg2[%mul3A_237, %dma_start3A_243] : memref<368640x128xf32, #tpu.memory_space<hbm>> -> memref<128x128xf32, #tpu.memory_space<hbm>>
          %dma_start3A_245 = arith.constant 0 : i32
          %dma_start3A_246 = arith.constant 0 : i32
          %dma_start3A_247 = tpu.memref_slice %arg4[%dma_start3A_238, %dma_start3A_245, %dma_start3A_246] : memref<2x128x128xf32, #tpu.memory_space<vmem>> -> memref<1x128x128xf32, #tpu.memory_space<vmem>>
          %dma_start3A_248 = tpu.memref_squeeze %dma_start3A_247 : memref<1x128x128xf32, #tpu.memory_space<vmem>> -> memref<128x128xf32, #tpu.memory_space<vmem>>
          %dma_start3A_249 = arith.constant 0 : i32
          %dma_start3A_250 = tpu.memref_slice %arg2[%mul3A_237, %dma_start3A_249] : memref<368640x128xf32, #tpu.memory_space<hbm>> -> memref<128x128xf32, #tpu.memory_space<hbm>>
          tpu.enqueue_dma source(%dma_start3A_250 : memref<128x128xf32, #tpu.memory_space<hbm>>) target(%dma_start3A_248 : memref<128x128xf32, #tpu.memory_space<vmem>>) target_semaphore(%arg6 : memref<!tpu.dma_semaphore, #tpu.memory_space<semaphore_mem>>)
        } else {
        }
        %scan3A_222 = arith.constant 0 : i32
        %scan3A_223 = arith.constant 64 : i32
        %scan3A_224 = arith.addi %scan3A_222, %scan3A_223 : i32
        %scan3A_225 = arith.constant 1 : i32
        %scan3A_226:20 = scf.for %scan3A_234 = %scan3A_222 to %scan3A_224 step %scan3A_225 iter_args(%scan3A_235 = %scan3A_185#0, %scan3A_236 = %scan3A_185#1, %scan3A_237 = %scan3A_185#2, %scan3A_238 = %scan3A_185#3, %scan3A_239 = %scan3A_185#4, %scan3A_240 = %scan3A_185#5, %scan3A_241 = %scan3A_185#6, %scan3A_242 = %scan3A_185#7, %scan3A_243 = %scan3A_185#8, %scan3A_244 = %scan3A_185#9, %scan3A_245 = %scan3A_185#10, %scan3A_246 = %scan3A_185#11, %scan3A_247 = %scan3A_185#12, %scan3A_248 = %scan3A_185#13, %scan3A_249 = %scan3A_185#14, %scan3A_250 = %scan3A_185#15, %scan3A_251 = %scan3A_185#16, %scan3A_252 = %scan3A_185#17, %scan3A_253 = %scan3A_185#18, %scan3A_254 = %scan3A_185#19) -> (vector<16xf32>, vector<16xf32>, vector<16xf32>, vector<16xf32>, vector<16xf32>, vector<16xf32>, vector<16xf32>, vector<16xf32>, vector<16xf32>, vector<16xf32>, vector<16xf32>, vector<16xf32>, vector<16xf32>, vector<16xf32>, vector<16xf32>, vector<16xf32>, vector<16xf32>, vector<16xf32>, vector<16xf32>, vector<16xf32>)  : i32 {
          %mul3A_255 = arith.constant 2 : i32
          %mul3A_256 = arith.muli %scan3A_234, %mul3A_255 : i32
          %add3A_257 = arith.constant 0 : i32
          %add3A_258 = arith.addi %mul3A_256, %add3A_257 : i32
          %get3A = arith.constant 1 : i32
          %get3A_259 = arith.index_cast %get3A : i32 to index
          %get3A_260 = arith.index_cast %add3A_258 : i32 to index
          %get3A_261 = arith.constant 0 : index
          %get3A_262 = tpu.vector_load %arg4[%get3A_259, %get3A_260, %get3A_261] {strides = array<i32>} : memref<2x128x128xf32, #tpu.memory_space<vmem>>, vector<16xf32>,
          %max3A = arith.maximumf %scan3A_235, %get3A_262 : vector<16xf32>
          %min3A_263 = arith.minimumf %scan3A_235, %get3A_262 : vector<16xf32>
          %max3A_264 = arith.maximumf %scan3A_236, %min3A_263 : vector<16xf32>
          %min3A_265 = arith.minimumf %scan3A_236, %min3A_263 : vector<16xf32>
          %max3A_266 = arith.maximumf %scan3A_237, %min3A_265 : vector<16xf32>
          %min3A_267 = arith.minimumf %scan3A_237, %min3A_265 : vector<16xf32>
          %max3A_268 = arith.maximumf %scan3A_238, %min3A_267 : vector<16xf32>
          %min3A_269 = arith.minimumf %scan3A_238, %min3A_267 : vector<16xf32>
          %max3A_270 = arith.maximumf %scan3A_239, %min3A_269 : vector<16xf32>
          %mul3A_271 = arith.constant 2 : i32
          %mul3A_272 = arith.muli %scan3A_234, %mul3A_271 : i32
          %add3A_273 = arith.constant 0 : i32
          %add3A_274 = arith.addi %mul3A_272, %add3A_273 : i32
          %get3A_275 = arith.constant 1 : i32
          %get3A_276 = arith.index_cast %get3A_275 : i32 to index
          %get3A_277 = arith.index_cast %add3A_274 : i32 to index
          %get3A_278 = arith.constant 16 : index
          %get3A_279 = tpu.vector_load %arg4[%get3A_276, %get3A_277, %get3A_278] {strides = array<i32>} : memref<2x128x128xf32, #tpu.memory_space<vmem>>, vector<16xf32>,
          %max3A_280 = arith.maximumf %scan3A_240, %get3A_279 : vector<16xf32>
          %min3A_281 = arith.minimumf %scan3A_240, %get3A_279 : vector<16xf32>
          %max3A_282 = arith.maximumf %scan3A_241, %min3A_281 : vector<16xf32>
          %min3A_283 = arith.minimumf %scan3A_241, %min3A_281 : vector<16xf32>
          %max3A_284 = arith.maximumf %scan3A_242, %min3A_283 : vector<16xf32>
          %min3A_285 = arith.minimumf %scan3A_242, %min3A_283 : vector<16xf32>
          %max3A_286 = arith.maximumf %scan3A_243, %min3A_285 : vector<16xf32>
          %min3A_287 = arith.minimumf %scan3A_243, %min3A_285 : vector<16xf32>
          %max3A_288 = arith.maximumf %scan3A_244, %min3A_287 : vector<16xf32>
          %mul3A_289 = arith.constant 2 : i32
          %mul3A_290 = arith.muli %scan3A_234, %mul3A_289 : i32
          %add3A_291 = arith.constant 0 : i32
          %add3A_292 = arith.addi %mul3A_290, %add3A_291 : i32
          %get3A_293 = arith.constant 1 : i32
          %get3A_294 = arith.index_cast %get3A_293 : i32 to index
          %get3A_295 = arith.index_cast %add3A_292 : i32 to index
          %get3A_296 = arith.constant 32 : index
          %get3A_297 = tpu.vector_load %arg4[%get3A_294, %get3A_295, %get3A_296] {strides = array<i32>} : memref<2x128x128xf32, #tpu.memory_space<vmem>>, vector<16xf32>,
          %max3A_298 = arith.maximumf %scan3A_245, %get3A_297 : vector<16xf32>
          %min3A_299 = arith.minimumf %scan3A_245, %get3A_297 : vector<16xf32>
          %max3A_300 = arith.maximumf %scan3A_246, %min3A_299 : vector<16xf32>
          %min3A_301 = arith.minimumf %scan3A_246, %min3A_299 : vector<16xf32>
          %max3A_302 = arith.maximumf %scan3A_247, %min3A_301 : vector<16xf32>
          %min3A_303 = arith.minimumf %scan3A_247, %min3A_301 : vector<16xf32>
          %max3A_304 = arith.maximumf %scan3A_248, %min3A_303 : vector<16xf32>
          %min3A_305 = arith.minimumf %scan3A_248, %min3A_303 : vector<16xf32>
          %max3A_306 = arith.maximumf %scan3A_249, %min3A_305 : vector<16xf32>
          %mul3A_307 = arith.constant 2 : i32
          %mul3A_308 = arith.muli %scan3A_234, %mul3A_307 : i32
          %add3A_309 = arith.constant 0 : i32
          %add3A_310 = arith.addi %mul3A_308, %add3A_309 : i32
          %get3A_311 = arith.constant 1 : i32
          %get3A_312 = arith.index_cast %get3A_311 : i32 to index
          %get3A_313 = arith.index_cast %add3A_310 : i32 to index
          %get3A_314 = arith.constant 48 : index
          %get3A_315 = tpu.vector_load %arg4[%get3A_312, %get3A_313, %get3A_314] {strides = array<i32>} : memref<2x128x128xf32, #tpu.memory_space<vmem>>, vector<16xf32>,
          %max3A_316 = arith.maximumf %scan3A_250, %get3A_315 : vector<16xf32>
          %min3A_317 = arith.minimumf %scan3A_250, %get3A_315 : vector<16xf32>
          %max3A_318 = arith.maximumf %scan3A_251, %min3A_317 : vector<16xf32>
          %min3A_319 = arith.minimumf %scan3A_251, %min3A_317 : vector<16xf32>
          %max3A_320 = arith.maximumf %scan3A_252, %min3A_319 : vector<16xf32>
          %min3A_321 = arith.minimumf %scan3A_252, %min3A_319 : vector<16xf32>
          %max3A_322 = arith.maximumf %scan3A_253, %min3A_321 : vector<16xf32>
          %min3A_323 = arith.minimumf %scan3A_253, %min3A_321 : vector<16xf32>
          %max3A_324 = arith.maximumf %scan3A_254, %min3A_323 : vector<16xf32>
          %mul3A_325 = arith.constant 2 : i32
          %mul3A_326 = arith.muli %scan3A_234, %mul3A_325 : i32
          %add3A_327 = arith.constant 1 : i32
          %add3A_328 = arith.addi %mul3A_326, %add3A_327 : i32
          %get3A_329 = arith.constant 1 : i32
          %get3A_330 = arith.index_cast %get3A_329 : i32 to index
          %get3A_331 = arith.index_cast %add3A_328 : i32 to index
          %get3A_332 = arith.constant 0 : index
          %get3A_333 = tpu.vector_load %arg4[%get3A_330, %get3A_331, %get3A_332] {strides = array<i32>} : memref<2x128x128xf32, #tpu.memory_space<vmem>>, vector<16xf32>,
          %max3A_334 = arith.maximumf %max3A, %get3A_333 : vector<16xf32>
          %min3A_335 = arith.minimumf %max3A, %get3A_333 : vector<16xf32>
          %max3A_336 = arith.maximumf %max3A_264, %min3A_335 : vector<16xf32>
          %min3A_337 = arith.minimumf %max3A_264, %min3A_335 : vector<16xf32>
          %max3A_338 = arith.maximumf %max3A_266, %min3A_337 : vector<16xf32>
          %min3A_339 = arith.minimumf %max3A_266, %min3A_337 : vector<16xf32>
          %max3A_340 = arith.maximumf %max3A_268, %min3A_339 : vector<16xf32>
          %min3A_341 = arith.minimumf %max3A_268, %min3A_339 : vector<16xf32>
          %max3A_342 = arith.maximumf %max3A_270, %min3A_341 : vector<16xf32>
          %mul3A_343 = arith.constant 2 : i32
          %mul3A_344 = arith.muli %scan3A_234, %mul3A_343 : i32
          %add3A_345 = arith.constant 1 : i32
          %add3A_346 = arith.addi %mul3A_344, %add3A_345 : i32
          %get3A_347 = arith.constant 1 : i32
          %get3A_348 = arith.index_cast %get3A_347 : i32 to index
          %get3A_349 = arith.index_cast %add3A_346 : i32 to index
          %get3A_350 = arith.constant 16 : index
          %get3A_351 = tpu.vector_load %arg4[%get3A_348, %get3A_349, %get3A_350] {strides = array<i32>} : memref<2x128x128xf32, #tpu.memory_space<vmem>>, vector<16xf32>,
          %max3A_352 = arith.maximumf %max3A_280, %get3A_351 : vector<16xf32>
          %min3A_353 = arith.minimumf %max3A_280, %get3A_351 : vector<16xf32>
          %max3A_354 = arith.maximumf %max3A_282, %min3A_353 : vector<16xf32>
          %min3A_355 = arith.minimumf %max3A_282, %min3A_353 : vector<16xf32>
          %max3A_356 = arith.maximumf %max3A_284, %min3A_355 : vector<16xf32>
          %min3A_357 = arith.minimumf %max3A_284, %min3A_355 : vector<16xf32>
          %max3A_358 = arith.maximumf %max3A_286, %min3A_357 : vector<16xf32>
          %min3A_359 = arith.minimumf %max3A_286, %min3A_357 : vector<16xf32>
          %max3A_360 = arith.maximumf %max3A_288, %min3A_359 : vector<16xf32>
          %mul3A_361 = arith.constant 2 : i32
          %mul3A_362 = arith.muli %scan3A_234, %mul3A_361 : i32
          %add3A_363 = arith.constant 1 : i32
          %add3A_364 = arith.addi %mul3A_362, %add3A_363 : i32
          %get3A_365 = arith.constant 1 : i32
          %get3A_366 = arith.index_cast %get3A_365 : i32 to index
          %get3A_367 = arith.index_cast %add3A_364 : i32 to index
          %get3A_368 = arith.constant 32 : index
          %get3A_369 = tpu.vector_load %arg4[%get3A_366, %get3A_367, %get3A_368] {strides = array<i32>} : memref<2x128x128xf32, #tpu.memory_space<vmem>>, vector<16xf32>,
          %max3A_370 = arith.maximumf %max3A_298, %get3A_369 : vector<16xf32>
          %min3A_371 = arith.minimumf %max3A_298, %get3A_369 : vector<16xf32>
          %max3A_372 = arith.maximumf %max3A_300, %min3A_371 : vector<16xf32>
          %min3A_373 = arith.minimumf %max3A_300, %min3A_371 : vector<16xf32>
          %max3A_374 = arith.maximumf %max3A_302, %min3A_373 : vector<16xf32>
          %min3A_375 = arith.minimumf %max3A_302, %min3A_373 : vector<16xf32>
          %max3A_376 = arith.maximumf %max3A_304, %min3A_375 : vector<16xf32>
          %min3A_377 = arith.minimumf %max3A_304, %min3A_375 : vector<16xf32>
          %max3A_378 = arith.maximumf %max3A_306, %min3A_377 : vector<16xf32>
          %mul3A_379 = arith.constant 2 : i32
          %mul3A_380 = arith.muli %scan3A_234, %mul3A_379 : i32
          %add3A_381 = arith.constant 1 : i32
          %add3A_382 = arith.addi %mul3A_380, %add3A_381 : i32
          %get3A_383 = arith.constant 1 : i32
          %get3A_384 = arith.index_cast %get3A_383 : i32 to index
          %get3A_385 = arith.index_cast %add3A_382 : i32 to index
          %get3A_386 = arith.constant 48 : index
          %get3A_387 = tpu.vector_load %arg4[%get3A_384, %get3A_385, %get3A_386] {strides = array<i32>} : memref<2x128x128xf32, #tpu.memory_space<vmem>>, vector<16xf32>,
          %max3A_388 = arith.maximumf %max3A_316, %get3A_387 : vector<16xf32>
          %min3A_389 = arith.minimumf %max3A_316, %get3A_387 : vector<16xf32>
          %max3A_390 = arith.maximumf %max3A_318, %min3A_389 : vector<16xf32>
          %min3A_391 = arith.minimumf %max3A_318, %min3A_389 : vector<16xf32>
          %max3A_392 = arith.maximumf %max3A_320, %min3A_391 : vector<16xf32>
          %min3A_393 = arith.minimumf %max3A_320, %min3A_391 : vector<16xf32>
          %max3A_394 = arith.maximumf %max3A_322, %min3A_393 : vector<16xf32>
          %min3A_395 = arith.minimumf %max3A_322, %min3A_393 : vector<16xf32>
          %max3A_396 = arith.maximumf %max3A_324, %min3A_395 : vector<16xf32>
          scf.yield %max3A_334, %max3A_336, %max3A_338, %max3A_340, %max3A_342, %max3A_352, %max3A_354, %max3A_356, %max3A_358, %max3A_360, %max3A_370, %max3A_372, %max3A_374, %max3A_376, %max3A_378, %max3A_388, %max3A_390, %max3A_392, %max3A_394, %max3A_396 : vector<16xf32>, vector<16xf32>, vector<16xf32>, vector<16xf32>, vector<16xf32>, vector<16xf32>, vector<16xf32>, vector<16xf32>, vector<16xf32>, vector<16xf32>, vector<16xf32>, vector<16xf32>, vector<16xf32>, vector<16xf32>, vector<16xf32>, vector<16xf32>, vector<16xf32>, vector<16xf32>, vector<16xf32>, vector<16xf32>
        }
        %scan3A_227 = arith.constant 64 : i32
        %scan3A_228 = arith.constant 0 : i32
        %scan3A_229 = arith.constant 64 : i32
        %scan3A_230 = arith.addi %scan3A_228, %scan3A_229 : i32
        %scan3A_231 = arith.constant 1 : i32
        %scan3A_232:20 = scf.for %scan3A_234 = %scan3A_228 to %scan3A_230 step %scan3A_231 iter_args(%scan3A_235 = %scan3A_191#0, %scan3A_236 = %scan3A_191#1, %scan3A_237 = %scan3A_191#2, %scan3A_238 = %scan3A_191#3, %scan3A_239 = %scan3A_191#4, %scan3A_240 = %scan3A_191#5, %scan3A_241 = %scan3A_191#6, %scan3A_242 = %scan3A_191#7, %scan3A_243 = %scan3A_191#8, %scan3A_244 = %scan3A_191#9, %scan3A_245 = %scan3A_191#10, %scan3A_246 = %scan3A_191#11, %scan3A_247 = %scan3A_191#12, %scan3A_248 = %scan3A_191#13, %scan3A_249 = %scan3A_191#14, %scan3A_250 = %scan3A_191#15, %scan3A_251 = %scan3A_191#16, %scan3A_252 = %scan3A_191#17, %scan3A_253 = %scan3A_191#18, %scan3A_254 = %scan3A_191#19) -> (vector<16xf32>, vector<16xf32>, vector<16xf32>, vector<16xf32>, vector<16xf32>, vector<16xf32>, vector<16xf32>, vector<16xf32>, vector<16xf32>, vector<16xf32>, vector<16xf32>, vector<16xf32>, vector<16xf32>, vector<16xf32>, vector<16xf32>, vector<16xf32>, vector<16xf32>, vector<16xf32>, vector<16xf32>, vector<16xf32>)  : i32 {
          %mul3A_255 = arith.constant 2 : i32
          %mul3A_256 = arith.muli %scan3A_234, %mul3A_255 : i32
          %add3A_257 = arith.constant 0 : i32
          %add3A_258 = arith.addi %mul3A_256, %add3A_257 : i32
          %get3A = arith.constant 1 : i32
          %get3A_259 = arith.index_cast %get3A : i32 to index
          %get3A_260 = arith.index_cast %add3A_258 : i32 to index
          %get3A_261 = arith.constant 64 : index
          %get3A_262 = tpu.vector_load %arg4[%get3A_259, %get3A_260, %get3A_261] {strides = array<i32>} : memref<2x128x128xf32, #tpu.memory_space<vmem>>, vector<16xf32>,
          %max3A = arith.maximumf %scan3A_235, %get3A_262 : vector<16xf32>
          %min3A_263 = arith.minimumf %scan3A_235, %get3A_262 : vector<16xf32>
          %max3A_264 = arith.maximumf %scan3A_236, %min3A_263 : vector<16xf32>
          %min3A_265 = arith.minimumf %scan3A_236, %min3A_263 : vector<16xf32>
          %max3A_266 = arith.maximumf %scan3A_237, %min3A_265 : vector<16xf32>
          %min3A_267 = arith.minimumf %scan3A_237, %min3A_265 : vector<16xf32>
          %max3A_268 = arith.maximumf %scan3A_238, %min3A_267 : vector<16xf32>
          %min3A_269 = arith.minimumf %scan3A_238, %min3A_267 : vector<16xf32>
          %max3A_270 = arith.maximumf %scan3A_239, %min3A_269 : vector<16xf32>
          %mul3A_271 = arith.constant 2 : i32
          %mul3A_272 = arith.muli %scan3A_234, %mul3A_271 : i32
          %add3A_273 = arith.constant 0 : i32
          %add3A_274 = arith.addi %mul3A_272, %add3A_273 : i32
          %get3A_275 = arith.constant 1 : i32
          %get3A_276 = arith.index_cast %get3A_275 : i32 to index
          %get3A_277 = arith.index_cast %add3A_274 : i32 to index
          %get3A_278 = arith.constant 80 : index
          %get3A_279 = tpu.vector_load %arg4[%get3A_276, %get3A_277, %get3A_278] {strides = array<i32>} : memref<2x128x128xf32, #tpu.memory_space<vmem>>, vector<16xf32>,
          %max3A_280 = arith.maximumf %scan3A_240, %get3A_279 : vector<16xf32>
          %min3A_281 = arith.minimumf %scan3A_240, %get3A_279 : vector<16xf32>
          %max3A_282 = arith.maximumf %scan3A_241, %min3A_281 : vector<16xf32>
          %min3A_283 = arith.minimumf %scan3A_241, %min3A_281 : vector<16xf32>
          %max3A_284 = arith.maximumf %scan3A_242, %min3A_283 : vector<16xf32>
          %min3A_285 = arith.minimumf %scan3A_242, %min3A_283 : vector<16xf32>
          %max3A_286 = arith.maximumf %scan3A_243, %min3A_285 : vector<16xf32>
          %min3A_287 = arith.minimumf %scan3A_243, %min3A_285 : vector<16xf32>
          %max3A_288 = arith.maximumf %scan3A_244, %min3A_287 : vector<16xf32>
          %mul3A_289 = arith.constant 2 : i32
          %mul3A_290 = arith.muli %scan3A_234, %mul3A_289 : i32
          %add3A_291 = arith.constant 0 : i32
          %add3A_292 = arith.addi %mul3A_290, %add3A_291 : i32
          %get3A_293 = arith.constant 1 : i32
          %get3A_294 = arith.index_cast %get3A_293 : i32 to index
          %get3A_295 = arith.index_cast %add3A_292 : i32 to index
          %get3A_296 = arith.constant 96 : index
          %get3A_297 = tpu.vector_load %arg4[%get3A_294, %get3A_295, %get3A_296] {strides = array<i32>} : memref<2x128x128xf32, #tpu.memory_space<vmem>>, vector<16xf32>,
          %max3A_298 = arith.maximumf %scan3A_245, %get3A_297 : vector<16xf32>
          %min3A_299 = arith.minimumf %scan3A_245, %get3A_297 : vector<16xf32>
          %max3A_300 = arith.maximumf %scan3A_246, %min3A_299 : vector<16xf32>
          %min3A_301 = arith.minimumf %scan3A_246, %min3A_299 : vector<16xf32>
          %max3A_302 = arith.maximumf %scan3A_247, %min3A_301 : vector<16xf32>
          %min3A_303 = arith.minimumf %scan3A_247, %min3A_301 : vector<16xf32>
          %max3A_304 = arith.maximumf %scan3A_248, %min3A_303 : vector<16xf32>
          %min3A_305 = arith.minimumf %scan3A_248, %min3A_303 : vector<16xf32>
          %max3A_306 = arith.maximumf %scan3A_249, %min3A_305 : vector<16xf32>
          %mul3A_307 = arith.constant 2 : i32
          %mul3A_308 = arith.muli %scan3A_234, %mul3A_307 : i32
          %add3A_309 = arith.constant 0 : i32
          %add3A_310 = arith.addi %mul3A_308, %add3A_309 : i32
          %get3A_311 = arith.constant 1 : i32
          %get3A_312 = arith.index_cast %get3A_311 : i32 to index
          %get3A_313 = arith.index_cast %add3A_310 : i32 to index
          %get3A_314 = arith.constant 112 : index
          %get3A_315 = tpu.vector_load %arg4[%get3A_312, %get3A_313, %get3A_314] {strides = array<i32>} : memref<2x128x128xf32, #tpu.memory_space<vmem>>, vector<16xf32>,
          %max3A_316 = arith.maximumf %scan3A_250, %get3A_315 : vector<16xf32>
          %min3A_317 = arith.minimumf %scan3A_250, %get3A_315 : vector<16xf32>
          %max3A_318 = arith.maximumf %scan3A_251, %min3A_317 : vector<16xf32>
          %min3A_319 = arith.minimumf %scan3A_251, %min3A_317 : vector<16xf32>
          %max3A_320 = arith.maximumf %scan3A_252, %min3A_319 : vector<16xf32>
          %min3A_321 = arith.minimumf %scan3A_252, %min3A_319 : vector<16xf32>
          %max3A_322 = arith.maximumf %scan3A_253, %min3A_321 : vector<16xf32>
          %min3A_323 = arith.minimumf %scan3A_253, %min3A_321 : vector<16xf32>
          %max3A_324 = arith.maximumf %scan3A_254, %min3A_323 : vector<16xf32>
          %mul3A_325 = arith.constant 2 : i32
          %mul3A_326 = arith.muli %scan3A_234, %mul3A_325 : i32
          %add3A_327 = arith.constant 1 : i32
          %add3A_328 = arith.addi %mul3A_326, %add3A_327 : i32
          %get3A_329 = arith.constant 1 : i32
          %get3A_330 = arith.index_cast %get3A_329 : i32 to index
          %get3A_331 = arith.index_cast %add3A_328 : i32 to index
          %get3A_332 = arith.constant 64 : index
          %get3A_333 = tpu.vector_load %arg4[%get3A_330, %get3A_331, %get3A_332] {strides = array<i32>} : memref<2x128x128xf32, #tpu.memory_space<vmem>>, vector<16xf32>,
          %max3A_334 = arith.maximumf %max3A, %get3A_333 : vector<16xf32>
          %min3A_335 = arith.minimumf %max3A, %get3A_333 : vector<16xf32>
          %max3A_336 = arith.maximumf %max3A_264, %min3A_335 : vector<16xf32>
          %min3A_337 = arith.minimumf %max3A_264, %min3A_335 : vector<16xf32>
          %max3A_338 = arith.maximumf %max3A_266, %min3A_337 : vector<16xf32>
          %min3A_339 = arith.minimumf %max3A_266, %min3A_337 : vector<16xf32>
          %max3A_340 = arith.maximumf %max3A_268, %min3A_339 : vector<16xf32>
          %min3A_341 = arith.minimumf %max3A_268, %min3A_339 : vector<16xf32>
          %max3A_342 = arith.maximumf %max3A_270, %min3A_341 : vector<16xf32>
          %mul3A_343 = arith.constant 2 : i32
          %mul3A_344 = arith.muli %scan3A_234, %mul3A_343 : i32
          %add3A_345 = arith.constant 1 : i32
          %add3A_346 = arith.addi %mul3A_344, %add3A_345 : i32
          %get3A_347 = arith.constant 1 : i32
          %get3A_348 = arith.index_cast %get3A_347 : i32 to index
          %get3A_349 = arith.index_cast %add3A_346 : i32 to index
          %get3A_350 = arith.constant 80 : index
          %get3A_351 = tpu.vector_load %arg4[%get3A_348, %get3A_349, %get3A_350] {strides = array<i32>} : memref<2x128x128xf32, #tpu.memory_space<vmem>>, vector<16xf32>,
          %max3A_352 = arith.maximumf %max3A_280, %get3A_351 : vector<16xf32>
          %min3A_353 = arith.minimumf %max3A_280, %get3A_351 : vector<16xf32>
          %max3A_354 = arith.maximumf %max3A_282, %min3A_353 : vector<16xf32>
          %min3A_355 = arith.minimumf %max3A_282, %min3A_353 : vector<16xf32>
          %max3A_356 = arith.maximumf %max3A_284, %min3A_355 : vector<16xf32>
          %min3A_357 = arith.minimumf %max3A_284, %min3A_355 : vector<16xf32>
          %max3A_358 = arith.maximumf %max3A_286, %min3A_357 : vector<16xf32>
          %min3A_359 = arith.minimumf %max3A_286, %min3A_357 : vector<16xf32>
          %max3A_360 = arith.maximumf %max3A_288, %min3A_359 : vector<16xf32>
          %mul3A_361 = arith.constant 2 : i32
          %mul3A_362 = arith.muli %scan3A_234, %mul3A_361 : i32
          %add3A_363 = arith.constant 1 : i32
          %add3A_364 = arith.addi %mul3A_362, %add3A_363 : i32
          %get3A_365 = arith.constant 1 : i32
          %get3A_366 = arith.index_cast %get3A_365 : i32 to index
          %get3A_367 = arith.index_cast %add3A_364 : i32 to index
          %get3A_368 = arith.constant 96 : index
          %get3A_369 = tpu.vector_load %arg4[%get3A_366, %get3A_367, %get3A_368] {strides = array<i32>} : memref<2x128x128xf32, #tpu.memory_space<vmem>>, vector<16xf32>,
          %max3A_370 = arith.maximumf %max3A_298, %get3A_369 : vector<16xf32>
          %min3A_371 = arith.minimumf %max3A_298, %get3A_369 : vector<16xf32>
          %max3A_372 = arith.maximumf %max3A_300, %min3A_371 : vector<16xf32>
          %min3A_373 = arith.minimumf %max3A_300, %min3A_371 : vector<16xf32>
          %max3A_374 = arith.maximumf %max3A_302, %min3A_373 : vector<16xf32>
          %min3A_375 = arith.minimumf %max3A_302, %min3A_373 : vector<16xf32>
          %max3A_376 = arith.maximumf %max3A_304, %min3A_375 : vector<16xf32>
          %min3A_377 = arith.minimumf %max3A_304, %min3A_375 : vector<16xf32>
          %max3A_378 = arith.maximumf %max3A_306, %min3A_377 : vector<16xf32>
          %mul3A_379 = arith.constant 2 : i32
          %mul3A_380 = arith.muli %scan3A_234, %mul3A_379 : i32
          %add3A_381 = arith.constant 1 : i32
          %add3A_382 = arith.addi %mul3A_380, %add3A_381 : i32
          %get3A_383 = arith.constant 1 : i32
          %get3A_384 = arith.index_cast %get3A_383 : i32 to index
          %get3A_385 = arith.index_cast %add3A_382 : i32 to index
          %get3A_386 = arith.constant 112 : index
          %get3A_387 = tpu.vector_load %arg4[%get3A_384, %get3A_385, %get3A_386] {strides = array<i32>} : memref<2x128x128xf32, #tpu.memory_space<vmem>>, vector<16xf32>,
          %max3A_388 = arith.maximumf %max3A_316, %get3A_387 : vector<16xf32>
          %min3A_389 = arith.minimumf %max3A_316, %get3A_387 : vector<16xf32>
          %max3A_390 = arith.maximumf %max3A_318, %min3A_389 : vector<16xf32>
          %min3A_391 = arith.minimumf %max3A_318, %min3A_389 : vector<16xf32>
          %max3A_392 = arith.maximumf %max3A_320, %min3A_391 : vector<16xf32>
          %min3A_393 = arith.minimumf %max3A_320, %min3A_391 : vector<16xf32>
          %max3A_394 = arith.maximumf %max3A_322, %min3A_393 : vector<16xf32>
          %min3A_395 = arith.minimumf %max3A_322, %min3A_393 : vector<16xf32>
          %max3A_396 = arith.maximumf %max3A_324, %min3A_395 : vector<16xf32>
          scf.yield %max3A_334, %max3A_336, %max3A_338, %max3A_340, %max3A_342, %max3A_352, %max3A_354, %max3A_356, %max3A_358, %max3A_360, %max3A_370, %max3A_372, %max3A_374, %max3A_376, %max3A_378, %max3A_388, %max3A_390, %max3A_392, %max3A_394, %max3A_396 : vector<16xf32>, vector<16xf32>, vector<16xf32>, vector<16xf32>, vector<16xf32>, vector<16xf32>, vector<16xf32>, vector<16xf32>, vector<16xf32>, vector<16xf32>, vector<16xf32>, vector<16xf32>, vector<16xf32>, vector<16xf32>, vector<16xf32>, vector<16xf32>, vector<16xf32>, vector<16xf32>, vector<16xf32>, vector<16xf32>
        }
        %scan3A_233 = arith.constant 64 : i32
        scf.yield %scan3A_226#0, %scan3A_226#1, %scan3A_226#2, %scan3A_226#3, %scan3A_226#4, %scan3A_226#5, %scan3A_226#6, %scan3A_226#7, %scan3A_226#8, %scan3A_226#9, %scan3A_226#10, %scan3A_226#11, %scan3A_226#12, %scan3A_226#13, %scan3A_226#14, %scan3A_226#15, %scan3A_226#16, %scan3A_226#17, %scan3A_226#18, %scan3A_226#19, %scan3A_232#0, %scan3A_232#1, %scan3A_232#2, %scan3A_232#3, %scan3A_232#4, %scan3A_232#5, %scan3A_232#6, %scan3A_232#7, %scan3A_232#8, %scan3A_232#9, %scan3A_232#10, %scan3A_232#11, %scan3A_232#12, %scan3A_232#13, %scan3A_232#14, %scan3A_232#15, %scan3A_232#16, %scan3A_232#17, %scan3A_232#18, %scan3A_232#19 : vector<16xf32>, vector<16xf32>, vector<16xf32>, vector<16xf32>, vector<16xf32>, vector<16xf32>, vector<16xf32>, vector<16xf32>, vector<16xf32>, vector<16xf32>, vector<16xf32>, vector<16xf32>, vector<16xf32>, vector<16xf32>, vector<16xf32>, vector<16xf32>, vector<16xf32>, vector<16xf32>, vector<16xf32>, vector<16xf32>, vector<16xf32>, vector<16xf32>, vector<16xf32>, vector<16xf32>, vector<16xf32>, vector<16xf32>, vector<16xf32>, vector<16xf32>, vector<16xf32>, vector<16xf32>, vector<16xf32>, vector<16xf32>, vector<16xf32>, vector<16xf32>, vector<16xf32>, vector<16xf32>, vector<16xf32>, vector<16xf32>, vector<16xf32>, vector<16xf32>
      }
      %scan3A_41 = arith.constant 16 : i32
      %add3A_42 = arith.addf %scan3A_40#0, %scan3A_40#1 : vector<16xf32>
      %add3A_43 = arith.addf %add3A_42, %scan3A_40#2 : vector<16xf32>
      %add3A_44 = arith.addf %add3A_43, %scan3A_40#3 : vector<16xf32>
      %add3A_45 = arith.addf %add3A_44, %scan3A_40#4 : vector<16xf32>
      %mul3A_46 = arith.constant 2.000000e-01 : f32
      %mul3A_47 = vector.broadcast %mul3A_46 : f32 to vector<16xf32>
      %mul3A_48 = arith.mulf %add3A_45, %mul3A_47 : vector<16xf32>
      %swap3A = arith.constant 0 : index
      %swap3A_49 = tpu.vector_load %arg5[%swap3A] {strides = array<i32>} : memref<128xf32, #tpu.memory_space<vmem>>, vector<16xf32>,
      tpu.vector_store %arg5[%swap3A], %mul3A_48 {strides = array<i32>} : memref<128xf32, #tpu.memory_space<vmem>>, vector<16xf32>,
      %add3A_50 = arith.addf %scan3A_40#5, %scan3A_40#6 : vector<16xf32>
      %add3A_51 = arith.addf %add3A_50, %scan3A_40#7 : vector<16xf32>
      %add3A_52 = arith.addf %add3A_51, %scan3A_40#8 : vector<16xf32>
      %add3A_53 = arith.addf %add3A_52, %scan3A_40#9 : vector<16xf32>
      %mul3A_54 = arith.constant 2.000000e-01 : f32
      %mul3A_55 = vector.broadcast %mul3A_54 : f32 to vector<16xf32>
      %mul3A_56 = arith.mulf %add3A_53, %mul3A_55 : vector<16xf32>
      %swap3A_57 = arith.constant 16 : index
      %swap3A_58 = tpu.vector_load %arg5[%swap3A_57] {strides = array<i32>} : memref<128xf32, #tpu.memory_space<vmem>>, vector<16xf32>,
      tpu.vector_store %arg5[%swap3A_57], %mul3A_56 {strides = array<i32>} : memref<128xf32, #tpu.memory_space<vmem>>, vector<16xf32>,
      %add3A_59 = arith.addf %scan3A_40#10, %scan3A_40#11 : vector<16xf32>
      %add3A_60 = arith.addf %add3A_59, %scan3A_40#12 : vector<16xf32>
      %add3A_61 = arith.addf %add3A_60, %scan3A_40#13 : vector<16xf32>
      %add3A_62 = arith.addf %add3A_61, %scan3A_40#14 : vector<16xf32>
      %mul3A_63 = arith.constant 2.000000e-01 : f32
      %mul3A_64 = vector.broadcast %mul3A_63 : f32 to vector<16xf32>
      %mul3A_65 = arith.mulf %add3A_62, %mul3A_64 : vector<16xf32>
      %swap3A_66 = arith.constant 32 : index
      %swap3A_67 = tpu.vector_load %arg5[%swap3A_66] {strides = array<i32>} : memref<128xf32, #tpu.memory_space<vmem>>, vector<16xf32>,
      tpu.vector_store %arg5[%swap3A_66], %mul3A_65 {strides = array<i32>} : memref<128xf32, #tpu.memory_space<vmem>>, vector<16xf32>,
      %add3A_68 = arith.addf %scan3A_40#15, %scan3A_40#16 : vector<16xf32>
      %add3A_69 = arith.addf %add3A_68, %scan3A_40#17 : vector<16xf32>
      %add3A_70 = arith.addf %add3A_69, %scan3A_40#18 : vector<16xf32>
      %add3A_71 = arith.addf %add3A_70, %scan3A_40#19 : vector<16xf32>
      %mul3A_72 = arith.constant 2.000000e-01 : f32
      %mul3A_73 = vector.broadcast %mul3A_72 : f32 to vector<16xf32>
      %mul3A_74 = arith.mulf %add3A_71, %mul3A_73 : vector<16xf32>
      %swap3A_75 = arith.constant 48 : index
      %swap3A_76 = tpu.vector_load %arg5[%swap3A_75] {strides = array<i32>} : memref<128xf32, #tpu.memory_space<vmem>>, vector<16xf32>,
      tpu.vector_store %arg5[%swap3A_75], %mul3A_74 {strides = array<i32>} : memref<128xf32, #tpu.memory_space<vmem>>, vector<16xf32>,
      %add3A_77 = arith.addf %scan3A_40#20, %scan3A_40#21 : vector<16xf32>
      %add3A_78 = arith.addf %add3A_77, %scan3A_40#22 : vector<16xf32>
      %add3A_79 = arith.addf %add3A_78, %scan3A_40#23 : vector<16xf32>
      %add3A_80 = arith.addf %add3A_79, %scan3A_40#24 : vector<16xf32>
      %mul3A_81 = arith.constant 2.000000e-01 : f32
      %mul3A_82 = vector.broadcast %mul3A_81 : f32 to vector<16xf32>
      %mul3A_83 = arith.mulf %add3A_80, %mul3A_82 : vector<16xf32>
      %swap3A_84 = arith.constant 64 : index
      %swap3A_85 = tpu.vector_load %arg5[%swap3A_84] {strides = array<i32>} : memref<128xf32, #tpu.memory_space<vmem>>, vector<16xf32>,
      tpu.vector_store %arg5[%swap3A_84], %mul3A_83 {strides = array<i32>} : memref<128xf32, #tpu.memory_space<vmem>>, vector<16xf32>,
      %add3A_86 = arith.addf %scan3A_40#25, %scan3A_40#26 : vector<16xf32>
      %add3A_87 = arith.addf %add3A_86, %scan3A_40#27 : vector<16xf32>
      %add3A_88 = arith.addf %add3A_87, %scan3A_40#28 : vector<16xf32>
      %add3A_89 = arith.addf %add3A_88, %scan3A_40#29 : vector<16xf32>
      %mul3A_90 = arith.constant 2.000000e-01 : f32
      %mul3A_91 = vector.broadcast %mul3A_90 : f32 to vector<16xf32>
      %mul3A_92 = arith.mulf %add3A_89, %mul3A_91 : vector<16xf32>
      %swap3A_93 = arith.constant 80 : index
      %swap3A_94 = tpu.vector_load %arg5[%swap3A_93] {strides = array<i32>} : memref<128xf32, #tpu.memory_space<vmem>>, vector<16xf32>,
      tpu.vector_store %arg5[%swap3A_93], %mul3A_92 {strides = array<i32>} : memref<128xf32, #tpu.memory_space<vmem>>, vector<16xf32>,
      %add3A_95 = arith.addf %scan3A_40#30, %scan3A_40#31 : vector<16xf32>
      %add3A_96 = arith.addf %add3A_95, %scan3A_40#32 : vector<16xf32>
      %add3A_97 = arith.addf %add3A_96, %scan3A_40#33 : vector<16xf32>
      %add3A_98 = arith.addf %add3A_97, %scan3A_40#34 : vector<16xf32>
      %mul3A_99 = arith.constant 2.000000e-01 : f32
      %mul3A_100 = vector.broadcast %mul3A_99 : f32 to vector<16xf32>
      %mul3A_101 = arith.mulf %add3A_98, %mul3A_100 : vector<16xf32>
      %swap3A_102 = arith.constant 96 : index
      %swap3A_103 = tpu.vector_load %arg5[%swap3A_102] {strides = array<i32>} : memref<128xf32, #tpu.memory_space<vmem>>, vector<16xf32>,
      tpu.vector_store %arg5[%swap3A_102], %mul3A_101 {strides = array<i32>} : memref<128xf32, #tpu.memory_space<vmem>>, vector<16xf32>,
      %add3A_104 = arith.addf %scan3A_40#35, %scan3A_40#36 : vector<16xf32>
      %add3A_105 = arith.addf %add3A_104, %scan3A_40#37 : vector<16xf32>
      %add3A_106 = arith.addf %add3A_105, %scan3A_40#38 : vector<16xf32>
      %add3A_107 = arith.addf %add3A_106, %scan3A_40#39 : vector<16xf32>
      %mul3A_108 = arith.constant 2.000000e-01 : f32
      %mul3A_109 = vector.broadcast %mul3A_108 : f32 to vector<16xf32>
      %mul3A_110 = arith.mulf %add3A_107, %mul3A_109 : vector<16xf32>
      %swap3A_111 = arith.constant 112 : index
      %swap3A_112 = tpu.vector_load %arg5[%swap3A_111] {strides = array<i32>} : memref<128xf32, #tpu.memory_space<vmem>>, vector<16xf32>,
      tpu.vector_store %arg5[%swap3A_111], %mul3A_110 {strides = array<i32>} : memref<128xf32, #tpu.memory_space<vmem>>, vector<16xf32>,
      %add3A_113 = arith.addi %add3A_6, %while3A_36 : i32
      "tpu.region"() ({
        %run_scoped3A = tpu.sem_alloc : memref<!tpu.dma_semaphore, #tpu.memory_space<semaphore_mem>>
        %dma_start3A_114 = arith.constant 0 : i32
        %dma_start3A_115 = tpu.memref_slice %arg3[%add3A_113, %dma_start3A_114] : memref<32x128xf32, #tpu.memory_space<hbm>> -> memref<1x128xf32, #tpu.memory_space<hbm>>
        %dma_start3A_116 = tpu.memref_squeeze %dma_start3A_115 : memref<1x128xf32, #tpu.memory_space<hbm>> -> memref<128xf32, #tpu.memory_space<hbm>>
        %dma_start3A_117 = arith.constant 0 : i32
        %dma_start3A_118 = tpu.memref_slice %arg3[%add3A_113, %dma_start3A_117] : memref<32x128xf32, #tpu.memory_space<hbm>> -> memref<1x128xf32, #tpu.memory_space<hbm>>
        %dma_start3A_119 = tpu.memref_squeeze %dma_start3A_118 : memref<1x128xf32, #tpu.memory_space<hbm>> -> memref<128xf32, #tpu.memory_space<hbm>>
        tpu.enqueue_dma source(%arg5 : memref<128xf32, #tpu.memory_space<vmem>>) target(%dma_start3A_119 : memref<128xf32, #tpu.memory_space<hbm>>) target_semaphore(%run_scoped3A : memref<!tpu.dma_semaphore, #tpu.memory_space<semaphore_mem>>)
        %dma_wait3A = arith.constant 0 : i32
        %dma_wait3A_120 = tpu.memref_slice %arg3[%add3A_113, %dma_wait3A] : memref<32x128xf32, #tpu.memory_space<hbm>> -> memref<1x128xf32, #tpu.memory_space<hbm>>
        %dma_wait3A_121 = tpu.memref_squeeze %dma_wait3A_120 : memref<1x128xf32, #tpu.memory_space<hbm>> -> memref<128xf32, #tpu.memory_space<hbm>>
        %dma_wait3A_122 = arith.constant 0 : i32
        %dma_wait3A_123 = tpu.memref_slice %arg3[%add3A_113, %dma_wait3A_122] : memref<32x128xf32, #tpu.memory_space<hbm>> -> memref<1x128xf32, #tpu.memory_space<hbm>>
        %dma_wait3A_124 = tpu.memref_squeeze %dma_wait3A_123 : memref<1x128xf32, #tpu.memory_space<hbm>> -> memref<128xf32, #tpu.memory_space<hbm>>
        tpu.wait_dma2 semaphore(%run_scoped3A : memref<!tpu.dma_semaphore, #tpu.memory_space<semaphore_mem>>) src(%arg5 : memref<128xf32, #tpu.memory_space<vmem>>) dst(%dma_wait3A_124 : memref<128xf32, #tpu.memory_space<hbm>>)
        tpu.yield
      }) : () -> ()
    }
    return
  }
}

module attributes {stable_mosaic.version = 14 : i64} {
  func.func @_tc_topk_body(%arg0: i32, %arg1: memref<512x128xf32, #tpu.memory_space<vmem>>, %arg2: memref<512x128xf32, #tpu.memory_space<vmem>>, %arg3: memref<512x128xf32, #tpu.memory_space<vmem>>, %arg4: memref<512x128xf32, #tpu.memory_space<vmem>>, %arg5: memref<512x128xf32, #tpu.memory_space<vmem>>, %arg6: memref<512x128xf32, #tpu.memory_space<vmem>>, %arg7: memref<512x128xf32, #tpu.memory_space<vmem>>, %arg8: memref<512x128xf32, #tpu.memory_space<vmem>>, %arg9: memref<1x1x128xf32, #tpu.memory_space<vmem>>) attributes {dimension_semantics = [#tpu.dimension_semantics<arbitrary>], iteration_bounds = array<i64: 58>, scalar_prefetch = 0 : i64, scratch_operands = 0 : i64, tpu.core_type = #tpu.core_type<tc>, window_params = [{transform_indices = @transform_0, window_bounds = array<i64: 512, 128>}, {transform_indices = @transform_1, window_bounds = array<i64: 512, 128>}, {transform_indices = @transform_2, window_bounds = array<i64: 512, 128>}, {transform_indices = @transform_3, window_bounds = array<i64: 512, 128>}, {transform_indices = @transform_4, window_bounds = array<i64: 512, 128>}, {transform_indices = @transform_5, window_bounds = array<i64: 512, 128>}, {transform_indices = @transform_6, window_bounds = array<i64: 512, 128>}, {transform_indices = @transform_7, window_bounds = array<i64: 512, 128>}, {transform_indices = @transform_8, window_bounds = array<i64: 1, 1, 128>}]} {
    %broadcast_in_dim3A = arith.constant 0xFF800000 : f32
    %broadcast_in_dim3A_0 = vector.broadcast %broadcast_in_dim3A : f32 to vector<32x128xf32>
    %scan3A = arith.constant 0 : i32
    %scan3A_1 = arith.constant 16 : i32
    %scan3A_2 = arith.addi %scan3A, %scan3A_1 : i32
    %scan3A_3 = arith.constant 1 : i32
    %scan3A_4:5 = scf.for %scan3A_78 = %scan3A to %scan3A_2 step %scan3A_3 iter_args(%scan3A_79 = %broadcast_in_dim3A_0, %scan3A_80 = %broadcast_in_dim3A_0, %scan3A_81 = %broadcast_in_dim3A_0, %scan3A_82 = %broadcast_in_dim3A_0, %scan3A_83 = %broadcast_in_dim3A_0) -> (vector<32x128xf32>, vector<32x128xf32>, vector<32x128xf32>, vector<32x128xf32>, vector<32x128xf32>)  : i32 {
      %mul3A_84 = arith.constant 32 : i32
      %mul3A_85 = arith.muli %scan3A_78, %mul3A_84 : i32
      %get3A = arith.index_cast %mul3A_85 : i32 to index
      %get3A_86 = arith.constant 0 : index
      %get3A_87 = vector.load %arg1[%get3A, %get3A_86] : memref<512x128xf32, #tpu.memory_space<vmem>>, vector<32x128xf32>
      %max3A = arith.maximumf %scan3A_79, %get3A_87 : vector<32x128xf32>
      %min3A = arith.minimumf %scan3A_79, %get3A_87 : vector<32x128xf32>
      %max3A_88 = arith.maximumf %scan3A_80, %min3A : vector<32x128xf32>
      %min3A_89 = arith.minimumf %scan3A_80, %min3A : vector<32x128xf32>
      %max3A_90 = arith.maximumf %scan3A_81, %min3A_89 : vector<32x128xf32>
      %min3A_91 = arith.minimumf %scan3A_81, %min3A_89 : vector<32x128xf32>
      %max3A_92 = arith.maximumf %scan3A_82, %min3A_91 : vector<32x128xf32>
      %min3A_93 = arith.minimumf %scan3A_82, %min3A_91 : vector<32x128xf32>
      %max3A_94 = arith.maximumf %scan3A_83, %min3A_93 : vector<32x128xf32>
      %mul3A_95 = arith.constant 32 : i32
      %mul3A_96 = arith.muli %scan3A_78, %mul3A_95 : i32
      %get3A_97 = arith.index_cast %mul3A_96 : i32 to index
      %get3A_98 = arith.constant 0 : index
      %get3A_99 = vector.load %arg2[%get3A_97, %get3A_98] : memref<512x128xf32, #tpu.memory_space<vmem>>, vector<32x128xf32>
      %max3A_100 = arith.maximumf %max3A, %get3A_99 : vector<32x128xf32>
      %min3A_101 = arith.minimumf %max3A, %get3A_99 : vector<32x128xf32>
      %max3A_102 = arith.maximumf %max3A_88, %min3A_101 : vector<32x128xf32>
      %min3A_103 = arith.minimumf %max3A_88, %min3A_101 : vector<32x128xf32>
      %max3A_104 = arith.maximumf %max3A_90, %min3A_103 : vector<32x128xf32>
      %min3A_105 = arith.minimumf %max3A_90, %min3A_103 : vector<32x128xf32>
      %max3A_106 = arith.maximumf %max3A_92, %min3A_105 : vector<32x128xf32>
      %min3A_107 = arith.minimumf %max3A_92, %min3A_105 : vector<32x128xf32>
      %max3A_108 = arith.maximumf %max3A_94, %min3A_107 : vector<32x128xf32>
      %mul3A_109 = arith.constant 32 : i32
      %mul3A_110 = arith.muli %scan3A_78, %mul3A_109 : i32
      %get3A_111 = arith.index_cast %mul3A_110 : i32 to index
      %get3A_112 = arith.constant 0 : index
      %get3A_113 = vector.load %arg3[%get3A_111, %get3A_112] : memref<512x128xf32, #tpu.memory_space<vmem>>, vector<32x128xf32>
      %max3A_114 = arith.maximumf %max3A_100, %get3A_113 : vector<32x128xf32>
      %min3A_115 = arith.minimumf %max3A_100, %get3A_113 : vector<32x128xf32>
      %max3A_116 = arith.maximumf %max3A_102, %min3A_115 : vector<32x128xf32>
      %min3A_117 = arith.minimumf %max3A_102, %min3A_115 : vector<32x128xf32>
      %max3A_118 = arith.maximumf %max3A_104, %min3A_117 : vector<32x128xf32>
      %min3A_119 = arith.minimumf %max3A_104, %min3A_117 : vector<32x128xf32>
      %max3A_120 = arith.maximumf %max3A_106, %min3A_119 : vector<32x128xf32>
      %min3A_121 = arith.minimumf %max3A_106, %min3A_119 : vector<32x128xf32>
      %max3A_122 = arith.maximumf %max3A_108, %min3A_121 : vector<32x128xf32>
      %mul3A_123 = arith.constant 32 : i32
      %mul3A_124 = arith.muli %scan3A_78, %mul3A_123 : i32
      %get3A_125 = arith.index_cast %mul3A_124 : i32 to index
      %get3A_126 = arith.constant 0 : index
      %get3A_127 = vector.load %arg4[%get3A_125, %get3A_126] : memref<512x128xf32, #tpu.memory_space<vmem>>, vector<32x128xf32>
      %max3A_128 = arith.maximumf %max3A_114, %get3A_127 : vector<32x128xf32>
      %min3A_129 = arith.minimumf %max3A_114, %get3A_127 : vector<32x128xf32>
      %max3A_130 = arith.maximumf %max3A_116, %min3A_129 : vector<32x128xf32>
      %min3A_131 = arith.minimumf %max3A_116, %min3A_129 : vector<32x128xf32>
      %max3A_132 = arith.maximumf %max3A_118, %min3A_131 : vector<32x128xf32>
      %min3A_133 = arith.minimumf %max3A_118, %min3A_131 : vector<32x128xf32>
      %max3A_134 = arith.maximumf %max3A_120, %min3A_133 : vector<32x128xf32>
      %min3A_135 = arith.minimumf %max3A_120, %min3A_133 : vector<32x128xf32>
      %max3A_136 = arith.maximumf %max3A_122, %min3A_135 : vector<32x128xf32>
      %mul3A_137 = arith.constant 32 : i32
      %mul3A_138 = arith.muli %scan3A_78, %mul3A_137 : i32
      %get3A_139 = arith.index_cast %mul3A_138 : i32 to index
      %get3A_140 = arith.constant 0 : index
      %get3A_141 = vector.load %arg5[%get3A_139, %get3A_140] : memref<512x128xf32, #tpu.memory_space<vmem>>, vector<32x128xf32>
      %max3A_142 = arith.maximumf %max3A_128, %get3A_141 : vector<32x128xf32>
      %min3A_143 = arith.minimumf %max3A_128, %get3A_141 : vector<32x128xf32>
      %max3A_144 = arith.maximumf %max3A_130, %min3A_143 : vector<32x128xf32>
      %min3A_145 = arith.minimumf %max3A_130, %min3A_143 : vector<32x128xf32>
      %max3A_146 = arith.maximumf %max3A_132, %min3A_145 : vector<32x128xf32>
      %min3A_147 = arith.minimumf %max3A_132, %min3A_145 : vector<32x128xf32>
      %max3A_148 = arith.maximumf %max3A_134, %min3A_147 : vector<32x128xf32>
      %min3A_149 = arith.minimumf %max3A_134, %min3A_147 : vector<32x128xf32>
      %max3A_150 = arith.maximumf %max3A_136, %min3A_149 : vector<32x128xf32>
      %mul3A_151 = arith.constant 32 : i32
      %mul3A_152 = arith.muli %scan3A_78, %mul3A_151 : i32
      %get3A_153 = arith.index_cast %mul3A_152 : i32 to index
      %get3A_154 = arith.constant 0 : index
      %get3A_155 = vector.load %arg6[%get3A_153, %get3A_154] : memref<512x128xf32, #tpu.memory_space<vmem>>, vector<32x128xf32>
      %max3A_156 = arith.maximumf %max3A_142, %get3A_155 : vector<32x128xf32>
      %min3A_157 = arith.minimumf %max3A_142, %get3A_155 : vector<32x128xf32>
      %max3A_158 = arith.maximumf %max3A_144, %min3A_157 : vector<32x128xf32>
      %min3A_159 = arith.minimumf %max3A_144, %min3A_157 : vector<32x128xf32>
      %max3A_160 = arith.maximumf %max3A_146, %min3A_159 : vector<32x128xf32>
      %min3A_161 = arith.minimumf %max3A_146, %min3A_159 : vector<32x128xf32>
      %max3A_162 = arith.maximumf %max3A_148, %min3A_161 : vector<32x128xf32>
      %min3A_163 = arith.minimumf %max3A_148, %min3A_161 : vector<32x128xf32>
      %max3A_164 = arith.maximumf %max3A_150, %min3A_163 : vector<32x128xf32>
      %mul3A_165 = arith.constant 32 : i32
      %mul3A_166 = arith.muli %scan3A_78, %mul3A_165 : i32
      %get3A_167 = arith.index_cast %mul3A_166 : i32 to index
      %get3A_168 = arith.constant 0 : index
      %get3A_169 = vector.load %arg7[%get3A_167, %get3A_168] : memref<512x128xf32, #tpu.memory_space<vmem>>, vector<32x128xf32>
      %max3A_170 = arith.maximumf %max3A_156, %get3A_169 : vector<32x128xf32>
      %min3A_171 = arith.minimumf %max3A_156, %get3A_169 : vector<32x128xf32>
      %max3A_172 = arith.maximumf %max3A_158, %min3A_171 : vector<32x128xf32>
      %min3A_173 = arith.minimumf %max3A_158, %min3A_171 : vector<32x128xf32>
      %max3A_174 = arith.maximumf %max3A_160, %min3A_173 : vector<32x128xf32>
      %min3A_175 = arith.minimumf %max3A_160, %min3A_173 : vector<32x128xf32>
      %max3A_176 = arith.maximumf %max3A_162, %min3A_175 : vector<32x128xf32>
      %min3A_177 = arith.minimumf %max3A_162, %min3A_175 : vector<32x128xf32>
      %max3A_178 = arith.maximumf %max3A_164, %min3A_177 : vector<32x128xf32>
      %mul3A_179 = arith.constant 32 : i32
      %mul3A_180 = arith.muli %scan3A_78, %mul3A_179 : i32
      %get3A_181 = arith.index_cast %mul3A_180 : i32 to index
      %get3A_182 = arith.constant 0 : index
      %get3A_183 = vector.load %arg8[%get3A_181, %get3A_182] : memref<512x128xf32, #tpu.memory_space<vmem>>, vector<32x128xf32>
      %max3A_184 = arith.maximumf %max3A_170, %get3A_183 : vector<32x128xf32>
      %min3A_185 = arith.minimumf %max3A_170, %get3A_183 : vector<32x128xf32>
      %max3A_186 = arith.maximumf %max3A_172, %min3A_185 : vector<32x128xf32>
      %min3A_187 = arith.minimumf %max3A_172, %min3A_185 : vector<32x128xf32>
      %max3A_188 = arith.maximumf %max3A_174, %min3A_187 : vector<32x128xf32>
      %min3A_189 = arith.minimumf %max3A_174, %min3A_187 : vector<32x128xf32>
      %max3A_190 = arith.maximumf %max3A_176, %min3A_189 : vector<32x128xf32>
      %min3A_191 = arith.minimumf %max3A_176, %min3A_189 : vector<32x128xf32>
      %max3A_192 = arith.maximumf %max3A_178, %min3A_191 : vector<32x128xf32>
      scf.yield %max3A_184, %max3A_186, %max3A_188, %max3A_190, %max3A_192 : vector<32x128xf32>, vector<32x128xf32>, vector<32x128xf32>, vector<32x128xf32>, vector<32x128xf32>
    }
    %scan3A_5 = arith.constant 16 : i32
    %iota3A = tpu.iota {dimensions = array<i32: 0>} : vector<32x128xi32>
    %broadcast_in_dim3A_6 = arith.constant 0.000000e+00 : f32
    %broadcast_in_dim3A_7 = vector.broadcast %broadcast_in_dim3A_6 : f32 to vector<1x128xf32>
    %reduce_max3A = arith.constant dense<0xFF800000> : vector<128xf32>
    %reduce_max3A_8 = vector.multi_reduction <maximumf>, %scan3A_4#0, %reduce_max3A [0] : vector<32x128xf32> to vector<128xf32>
    %broadcast_in_dim3A_9 = vector.shape_cast %reduce_max3A_8 : vector<128xf32> to vector<1x128xf32>
    %add3A = arith.addf %broadcast_in_dim3A_7, %broadcast_in_dim3A_9 : vector<1x128xf32>
    %eq3A = vector.broadcast %broadcast_in_dim3A_9 : vector<1x128xf32> to vector<32x128xf32>
    %eq3A_10 = arith.cmpf oeq, %scan3A_4#0, %eq3A : vector<32x128xf32>
    %jit3A = arith.constant 32 : i32
    %broadcast_in_dim3A_11 = vector.broadcast %jit3A : i32 to vector<32x128xi32>
    %select_n3A = arith.select %eq3A_10, %iota3A, %broadcast_in_dim3A_11 : vector<32x128xi1>, vector<32x128xi32>
    %reduce_min3A = arith.constant dense<2147483647> : vector<128xi32>
    %reduce_min3A_12 = vector.multi_reduction <minsi>, %select_n3A, %reduce_min3A [0] : vector<32x128xi32> to vector<128xi32>
    %broadcast_in_dim3A_13 = vector.shape_cast %reduce_min3A_12 : vector<128xi32> to vector<1x128xi32>
    %eq3A_14 = vector.broadcast %broadcast_in_dim3A_13 : vector<1x128xi32> to vector<32x128xi32>
    %eq3A_15 = arith.cmpi eq, %iota3A, %eq3A_14 : vector<32x128xi32>
    %select_n3A_16 = arith.select %eq3A_15, %scan3A_4#1, %scan3A_4#0 : vector<32x128xi1>, vector<32x128xf32>
    %select_n3A_17 = arith.select %eq3A_15, %scan3A_4#2, %scan3A_4#1 : vector<32x128xi1>, vector<32x128xf32>
    %select_n3A_18 = arith.select %eq3A_15, %scan3A_4#3, %scan3A_4#2 : vector<32x128xi1>, vector<32x128xf32>
    %select_n3A_19 = arith.select %eq3A_15, %scan3A_4#4, %scan3A_4#3 : vector<32x128xi1>, vector<32x128xf32>
    %reduce_max3A_20 = arith.constant dense<0xFF800000> : vector<128xf32>
    %reduce_max3A_21 = vector.multi_reduction <maximumf>, %select_n3A_16, %reduce_max3A_20 [0] : vector<32x128xf32> to vector<128xf32>
    %broadcast_in_dim3A_22 = vector.shape_cast %reduce_max3A_21 : vector<128xf32> to vector<1x128xf32>
    %add3A_23 = arith.addf %add3A, %broadcast_in_dim3A_22 : vector<1x128xf32>
    %eq3A_24 = vector.broadcast %broadcast_in_dim3A_22 : vector<1x128xf32> to vector<32x128xf32>
    %eq3A_25 = arith.cmpf oeq, %select_n3A_16, %eq3A_24 : vector<32x128xf32>
    %jit3A_26 = arith.constant 32 : i32
    %broadcast_in_dim3A_27 = vector.broadcast %jit3A_26 : i32 to vector<32x128xi32>
    %select_n3A_28 = arith.select %eq3A_25, %iota3A, %broadcast_in_dim3A_27 : vector<32x128xi1>, vector<32x128xi32>
    %reduce_min3A_29 = arith.constant dense<2147483647> : vector<128xi32>
    %reduce_min3A_30 = vector.multi_reduction <minsi>, %select_n3A_28, %reduce_min3A_29 [0] : vector<32x128xi32> to vector<128xi32>
    %broadcast_in_dim3A_31 = vector.shape_cast %reduce_min3A_30 : vector<128xi32> to vector<1x128xi32>
    %eq3A_32 = vector.broadcast %broadcast_in_dim3A_31 : vector<1x128xi32> to vector<32x128xi32>
    %eq3A_33 = arith.cmpi eq, %iota3A, %eq3A_32 : vector<32x128xi32>
    %select_n3A_34 = arith.select %eq3A_33, %select_n3A_17, %select_n3A_16 : vector<32x128xi1>, vector<32x128xf32>
    %select_n3A_35 = arith.select %eq3A_33, %select_n3A_18, %select_n3A_17 : vector<32x128xi1>, vector<32x128xf32>
    %select_n3A_36 = arith.select %eq3A_33, %select_n3A_19, %select_n3A_18 : vector<32x128xi1>, vector<32x128xf32>
    %reduce_max3A_37 = arith.constant dense<0xFF800000> : vector<128xf32>
    %reduce_max3A_38 = vector.multi_reduction <maximumf>, %select_n3A_34, %reduce_max3A_37 [0] : vector<32x128xf32> to vector<128xf32>
    %broadcast_in_dim3A_39 = vector.shape_cast %reduce_max3A_38 : vector<128xf32> to vector<1x128xf32>
    %add3A_40 = arith.addf %add3A_23, %broadcast_in_dim3A_39 : vector<1x128xf32>
    %eq3A_41 = vector.broadcast %broadcast_in_dim3A_39 : vector<1x128xf32> to vector<32x128xf32>
    %eq3A_42 = arith.cmpf oeq, %select_n3A_34, %eq3A_41 : vector<32x128xf32>
    %jit3A_43 = arith.constant 32 : i32
    %broadcast_in_dim3A_44 = vector.broadcast %jit3A_43 : i32 to vector<32x128xi32>
    %select_n3A_45 = arith.select %eq3A_42, %iota3A, %broadcast_in_dim3A_44 : vector<32x128xi1>, vector<32x128xi32>
    %reduce_min3A_46 = arith.constant dense<2147483647> : vector<128xi32>
    %reduce_min3A_47 = vector.multi_reduction <minsi>, %select_n3A_45, %reduce_min3A_46 [0] : vector<32x128xi32> to vector<128xi32>
    %broadcast_in_dim3A_48 = vector.shape_cast %reduce_min3A_47 : vector<128xi32> to vector<1x128xi32>
    %eq3A_49 = vector.broadcast %broadcast_in_dim3A_48 : vector<1x128xi32> to vector<32x128xi32>
    %eq3A_50 = arith.cmpi eq, %iota3A, %eq3A_49 : vector<32x128xi32>
    %select_n3A_51 = arith.select %eq3A_50, %select_n3A_35, %select_n3A_34 : vector<32x128xi1>, vector<32x128xf32>
    %select_n3A_52 = arith.select %eq3A_50, %select_n3A_36, %select_n3A_35 : vector<32x128xi1>, vector<32x128xf32>
    %reduce_max3A_53 = arith.constant dense<0xFF800000> : vector<128xf32>
    %reduce_max3A_54 = vector.multi_reduction <maximumf>, %select_n3A_51, %reduce_max3A_53 [0] : vector<32x128xf32> to vector<128xf32>
    %broadcast_in_dim3A_55 = vector.shape_cast %reduce_max3A_54 : vector<128xf32> to vector<1x128xf32>
    %add3A_56 = arith.addf %add3A_40, %broadcast_in_dim3A_55 : vector<1x128xf32>
    %eq3A_57 = vector.broadcast %broadcast_in_dim3A_55 : vector<1x128xf32> to vector<32x128xf32>
    %eq3A_58 = arith.cmpf oeq, %select_n3A_51, %eq3A_57 : vector<32x128xf32>
    %jit3A_59 = arith.constant 32 : i32
    %broadcast_in_dim3A_60 = vector.broadcast %jit3A_59 : i32 to vector<32x128xi32>
    %select_n3A_61 = arith.select %eq3A_58, %iota3A, %broadcast_in_dim3A_60 : vector<32x128xi1>, vector<32x128xi32>
    %reduce_min3A_62 = arith.constant dense<2147483647> : vector<128xi32>
    %reduce_min3A_63 = vector.multi_reduction <minsi>, %select_n3A_61, %reduce_min3A_62 [0] : vector<32x128xi32> to vector<128xi32>
    %broadcast_in_dim3A_64 = vector.shape_cast %reduce_min3A_63 : vector<128xi32> to vector<1x128xi32>
    %eq3A_65 = vector.broadcast %broadcast_in_dim3A_64 : vector<1x128xi32> to vector<32x128xi32>
    %eq3A_66 = arith.cmpi eq, %iota3A, %eq3A_65 : vector<32x128xi32>
    %select_n3A_67 = arith.select %eq3A_66, %select_n3A_52, %select_n3A_51 : vector<32x128xi1>, vector<32x128xf32>
    %reduce_max3A_68 = arith.constant dense<0xFF800000> : vector<128xf32>
    %reduce_max3A_69 = vector.multi_reduction <maximumf>, %select_n3A_67, %reduce_max3A_68 [0] : vector<32x128xf32> to vector<128xf32>
    %broadcast_in_dim3A_70 = vector.shape_cast %reduce_max3A_69 : vector<128xf32> to vector<1x128xf32>
    %add3A_71 = arith.addf %add3A_56, %broadcast_in_dim3A_70 : vector<1x128xf32>
    %mul3A = arith.constant 2.000000e-01 : f32
    %mul3A_72 = vector.broadcast %mul3A : f32 to vector<1x128xf32>
    %mul3A_73 = arith.mulf %add3A_71, %mul3A_72 : vector<1x128xf32>
    %broadcast_in_dim3A_74 = vector.shape_cast %mul3A_73 : vector<1x128xf32> to vector<1x1x128xf32>
    %swap3A = arith.constant 0 : index
    %swap3A_75 = arith.constant 0 : index
    %swap3A_76 = arith.constant 0 : index
    %swap3A_77 = vector.load %arg9[%swap3A, %swap3A_75, %swap3A_76] : memref<1x1x128xf32, #tpu.memory_space<vmem>>, vector<1x1x128xf32>
    tpu.vector_store %arg9[%swap3A, %swap3A_75, %swap3A_76], %broadcast_in_dim3A_74 {strides = array<i32>} : memref<1x1x128xf32, #tpu.memory_space<vmem>>, vector<1x1x128xf32>,
    return
  }
  func.func @transform_0(%arg0: i32) -> (i32, i32) {
    %add3A = arith.constant 32 : i32
    %add3A_0 = arith.addi %arg0, %add3A : i32
    %mul3A = arith.constant 8 : i32
    %mul3A_1 = arith.muli %mul3A, %add3A_0 : i32
    %add3A_2 = arith.constant 0 : i32
    %add3A_3 = arith.addi %mul3A_1, %add3A_2 : i32
    %c0_i32 = arith.constant 0 : i32
    %c0_i32_4 = arith.constant 0 : i32
    return %add3A_3, %c0_i32 : i32, i32
  }
  func.func @transform_1(%arg0: i32) -> (i32, i32) {
    %add3A = arith.constant 32 : i32
    %add3A_0 = arith.addi %arg0, %add3A : i32
    %mul3A = arith.constant 8 : i32
    %mul3A_1 = arith.muli %mul3A, %add3A_0 : i32
    %add3A_2 = arith.constant 1 : i32
    %add3A_3 = arith.addi %mul3A_1, %add3A_2 : i32
    %c0_i32 = arith.constant 0 : i32
    %c0_i32_4 = arith.constant 0 : i32
    return %add3A_3, %c0_i32 : i32, i32
  }
  func.func @transform_2(%arg0: i32) -> (i32, i32) {
    %add3A = arith.constant 32 : i32
    %add3A_0 = arith.addi %arg0, %add3A : i32
    %mul3A = arith.constant 8 : i32
    %mul3A_1 = arith.muli %mul3A, %add3A_0 : i32
    %add3A_2 = arith.constant 2 : i32
    %add3A_3 = arith.addi %mul3A_1, %add3A_2 : i32
    %c0_i32 = arith.constant 0 : i32
    %c0_i32_4 = arith.constant 0 : i32
    return %add3A_3, %c0_i32 : i32, i32
  }
  func.func @transform_3(%arg0: i32) -> (i32, i32) {
    %add3A = arith.constant 32 : i32
    %add3A_0 = arith.addi %arg0, %add3A : i32
    %mul3A = arith.constant 8 : i32
    %mul3A_1 = arith.muli %mul3A, %add3A_0 : i32
    %add3A_2 = arith.constant 3 : i32
    %add3A_3 = arith.addi %mul3A_1, %add3A_2 : i32
    %c0_i32 = arith.constant 0 : i32
    %c0_i32_4 = arith.constant 0 : i32
    return %add3A_3, %c0_i32 : i32, i32
  }
  func.func @transform_4(%arg0: i32) -> (i32, i32) {
    %add3A = arith.constant 32 : i32
    %add3A_0 = arith.addi %arg0, %add3A : i32
    %mul3A = arith.constant 8 : i32
    %mul3A_1 = arith.muli %mul3A, %add3A_0 : i32
    %add3A_2 = arith.constant 4 : i32
    %add3A_3 = arith.addi %mul3A_1, %add3A_2 : i32
    %c0_i32 = arith.constant 0 : i32
    %c0_i32_4 = arith.constant 0 : i32
    return %add3A_3, %c0_i32 : i32, i32
  }
  func.func @transform_5(%arg0: i32) -> (i32, i32) {
    %add3A = arith.constant 32 : i32
    %add3A_0 = arith.addi %arg0, %add3A : i32
    %mul3A = arith.constant 8 : i32
    %mul3A_1 = arith.muli %mul3A, %add3A_0 : i32
    %add3A_2 = arith.constant 5 : i32
    %add3A_3 = arith.addi %mul3A_1, %add3A_2 : i32
    %c0_i32 = arith.constant 0 : i32
    %c0_i32_4 = arith.constant 0 : i32
    return %add3A_3, %c0_i32 : i32, i32
  }
  func.func @transform_6(%arg0: i32) -> (i32, i32) {
    %add3A = arith.constant 32 : i32
    %add3A_0 = arith.addi %arg0, %add3A : i32
    %mul3A = arith.constant 8 : i32
    %mul3A_1 = arith.muli %mul3A, %add3A_0 : i32
    %add3A_2 = arith.constant 6 : i32
    %add3A_3 = arith.addi %mul3A_1, %add3A_2 : i32
    %c0_i32 = arith.constant 0 : i32
    %c0_i32_4 = arith.constant 0 : i32
    return %add3A_3, %c0_i32 : i32, i32
  }
  func.func @transform_7(%arg0: i32) -> (i32, i32) {
    %add3A = arith.constant 32 : i32
    %add3A_0 = arith.addi %arg0, %add3A : i32
    %mul3A = arith.constant 8 : i32
    %mul3A_1 = arith.muli %mul3A, %add3A_0 : i32
    %add3A_2 = arith.constant 7 : i32
    %add3A_3 = arith.addi %mul3A_1, %add3A_2 : i32
    %c0_i32 = arith.constant 0 : i32
    %c0_i32_4 = arith.constant 0 : i32
    return %add3A_3, %c0_i32 : i32, i32
  }
  func.func @transform_8(%arg0: i32) -> (i32, i32, i32) {
    %c0_i32 = arith.constant 0 : i32
    %c0_i32_0 = arith.constant 0 : i32
    %c0_i32_1 = arith.constant 0 : i32
    return %arg0, %c0_i32, %c0_i32_0 : i32, i32, i32
  }
}

module attributes {stable_mosaic.version = 14 : i64} {
  func.func @_tc_linear(%arg0: memref<90x128xf32, #tpu.memory_space<vmem>>, %arg1: memref<90x1xf32, #tpu.memory_space<vmem>>, %arg2: memref<1x1xf32, #tpu.memory_space<vmem>>, %arg3: memref<1x128xf32, #tpu.memory_space<vmem>>) attributes {dimension_semantics = [], scalar_prefetch = 0 : i64, scratch_operands = 0 : i64, tpu.core_type = #tpu.core_type<tc>} {
    %get3A = arith.constant 0 : index
    %get3A_0 = arith.constant 0 : index
    %get3A_1 = vector.load %arg0[%get3A, %get3A_0] : memref<90x128xf32, #tpu.memory_space<vmem>>, vector<90x128xf32>
    %convert_element_type3A = arith.truncf %get3A_1 : vector<90x128xf32> to vector<90x128xbf16>
    %convert_element_type3A_2 = arith.extf %convert_element_type3A : vector<90x128xbf16> to vector<90x128xf32>
    %get3A_3 = arith.constant 0 : index
    %get3A_4 = arith.constant 0 : index
    %get3A_5 = vector.load %arg1[%get3A_3, %get3A_4] : memref<90x1xf32, #tpu.memory_space<vmem>>, vector<90x1xf32>
    %convert_element_type3A_6 = arith.truncf %get3A_5 : vector<90x1xf32> to vector<90x1xbf16>
    %convert_element_type3A_7 = arith.extf %convert_element_type3A_6 : vector<90x1xbf16> to vector<90x1xf32>
    %mul3A = vector.broadcast %convert_element_type3A_7 : vector<90x1xf32> to vector<90x128xf32>
    %mul3A_8 = arith.mulf %convert_element_type3A_2, %mul3A : vector<90x128xf32>
    %reduce_sum3A = arith.constant dense<0.000000e+00> : vector<128xf32>
    %reduce_sum3A_9 = vector.multi_reduction <add>, %mul3A_8, %reduce_sum3A [0] : vector<90x128xf32> to vector<128xf32>
    %broadcast_in_dim3A = vector.shape_cast %reduce_sum3A_9 : vector<128xf32> to vector<1x128xf32>
    %get3A_10 = arith.constant 0 : index
    %get3A_11 = arith.constant 0 : index
    %get3A_12 = vector.load %arg2[%get3A_10, %get3A_11] : memref<1x1xf32, #tpu.memory_space<vmem>>, vector<1x1xf32>
    %add3A = vector.broadcast %get3A_12 : vector<1x1xf32> to vector<1x128xf32>
    %add3A_13 = arith.addf %broadcast_in_dim3A, %add3A : vector<1x128xf32>
    %swap3A = arith.constant 0 : index
    %swap3A_14 = arith.constant 0 : index
    %swap3A_15 = vector.load %arg3[%swap3A, %swap3A_14] : memref<1x128xf32, #tpu.memory_space<vmem>>, vector<1x128xf32>
    tpu.vector_store %arg3[%swap3A, %swap3A_14], %add3A_13 {strides = array<i32>} : memref<1x128xf32, #tpu.memory_space<vmem>>, vector<1x128xf32>,
    return
  }
}

</mosaic_0001>

<sc_bundles>
// kernel: kernel.5.cloned.1.call-start
scs
__scs_entry_jumppad:
0x0: {  	(pc) =	sbr.rel $0x88, $3  }
0x1: {  	(tag) =	ssettag $0x0;
	lr =	simm.s32 $0x1  }
0x2: {  	[smem:$0x3F9E] =	sst lr;
	_ =	strace $0xD0000000  }
0x3: {  	_ = 	snop  }
0x4: {  	_ = 	snop  }
0x5: {  	_ = 	snop  }
0x6: {  	_ = 	snop  }
0x7: {  	_ = 	snop  }
__scs_overlays_trampoline_lowered:
0x8: {  	[smem:$0x3FAD] =	sst s0  }
0x9: {  	[smem:$0x3FAE] =	sst s1  }
0xa: {  	[smem:$0x3FAF] =	sst s2  }
0xb: {  	[smem:$0x3FB0] =	sst s3  }
0xc: {  	[smem:$0x3FB1] =	sst s4  }
0xd: {  	[smem:$0x3FB2] =	sst s5  }
0xe: {  	[smem:$0x3FB3] =	sst s6  }
0xf: {  	[smem:$0x3FB4] =	sst s7  }
0x10: {  	[smem:$0x3FB5] =	sst s8  }
0x11: {  	[smem:$0x3FB6] =	sst s9;
	s0 =	simm.s32 @!p0 $0x0  }
0x12: {  	s1 =	sld [smem:$0x3F9C];
	s0 =	simm.s32 @p0 $0x1  }
0x13: {  	[smem:$0x3FB7] =	sst s0;
	s0 =	simm.s32 @!p1 $0x0  }
0x14: {  	s2 =	sld [smem:$0x3F9B];
	s0 =	simm.s32 @p1 $0x1  }
0x15: {  	[smem:$0x3FB8] =	sst s0;
	s0 =	simm.s32 @!p2 $0x0  }
0x16: {  	s3 =	sld [smem:$0x3FDB];
	s0 =	simm.s32 @p2 $0x1  }
0x17: {  	s4 =	simm.s32 $0x1BF5;
	[smem:$0x3FBA] =	sst s0  }
0x18: {  	s0 =	sld [smem:$0x3F9D];
	_ =	swait.ge [sflag:s4], $0x0  }
0x19: {  	s7 =	sld [smem:$0x3F9E]  }
0x1a: {  	s8 =	sadd.s32 $0xFFFFE003, lr  }
0x1b: {  	s9 =	sadd.s32 $0xFFFFFEF7, lr;
	s5 =	simm.s32 $0xFFFFFFFF;
	p2 =	slt.u32 s8, $0xFFFFF086  }
0x1c: {  	p1 =	slt.u32 s9, $0xF7A;
	s5 =	simm.s32 @!p2 $0x0  }
0x1d: {  	s5 =	simm.s32 @p1 $0x1;
	p0 =	seq.s32 s7, s2  }
0x1e: {  	s7 =	smul.u32 @!p0 $0xF7A, s2;
	p2 =	seq.s32 @!p0 s5, $0x0  }
0x1f: {  	s9 =	smul.u32 $0xF7A, s1;
	s8 =	simm.s32 @!p0 $0x1BF5;
	p2 =	por !p2, p0  }
0x20: {  	[sflag:s8] =	ssyncset.s32 @!p0 $0xFFFFF086;
	s6 =	sadd.s32 @!p0 s3, s7;
	s7 =	simm.s32 @!p0 $0x108  }
0x21: {  	s3 =	sadd.s32 s3, s9;
	s6 =	sadd.s32 @!p0 $0x88, s6;
	s7 =	simm.s32 @p2 $0x1082  }
0x22: {  	[simem:s7], [sflag:s8] =	dma.local @!p0 [hbm:s6], $0xF7A  }
0x23: {  	s9 =	sor.u32 $0xD0000000, s2;
	s6 =	simm.s32 $0x108;
	_ =	swait.ge @!p0 [sflag:s8], $0x0  }
0x24: {  	s3 =	sadd.s32 $0x88, s3;
	s6 =	simm.s32 @!p1 $0x1082;
	[sflag:s4] =	ssyncset.s32 $0xFFFFF086  }
0x25: {  	[simem:s6], [sflag:s4] =	dma.local [hbm:s3], $0xF7A  }
0x26: {  	[smem:$0x3F9E] =	sst s1;
	(tag) =	ssettag s2;
	_ =	strace s9  }
0x27: {  	s1 =	sld [smem:$0x3FAE]  }
0x28: {  	s2 =	sld [smem:$0x3FAF]  }
0x29: {  	s4 =	sld [smem:$0x3FB1]  }
0x2a: {  	p0 =	seq.s32 s5, $0x0;
	s5 =	sld [smem:$0x3FB2]  }
0x2b: {  	s6 =	sld [smem:$0x3FB3]  }
0x2c: {  	s7 =	sld [smem:$0x3FB4]  }
0x2d: {  	s3 =	simm.s32 $0x108;
	s8 =	sld [smem:$0x3FB5]  }
0x2e: {  	s3 =	simm.s32 @!p0 $0x1082;
	s9 =	sld [smem:$0x3FB6]  }
0x2f: {  	lr =	sadd.s32 s0, s3;
	s0 =	sld [smem:$0x3FAD]  }
0x30: {  	s3 =	sld [smem:$0x3FB0]  }
0x31: {  	[smem:$0x3FB9] =	sst s10  }
0x32: {  	s10 =	sld [smem:$0x3FB7];
	_ =	sdelay $0x3  }
0x33: {  	p0 =	seq.s32 s10, $0x1;
	s10 =	sld [smem:$0x3FB9];
	_ =	sdelay $0x3  }
0x34: {  	[smem:$0x3FB9] =	sst s10  }
0x35: {  	s10 =	sld [smem:$0x3FB8];
	_ =	sdelay $0x3  }
0x36: {  	p1 =	seq.s32 s10, $0x1;
	s10 =	sld [smem:$0x3FB9];
	_ =	sdelay $0x3  }
0x37: {  	[smem:$0x3FB9] =	sst s10  }
0x38: {  	s10 =	sld [smem:$0x3FBA]  }
0x39: {  	_ = 	snop;
	(pc) =	sbr.ind lr, $3  }
0x3a: {  	_ = 	snop  }
0x3b: {  	_ = 	snop  }
0x3c: {  	p2 =	seq.s32 s10, $0x1;
	s10 =	sld [smem:$0x3FB9]  }
0x3d: {  	_ =	shalt  }
0x3e: {  	_ =	shalt  }
0x3f: {  	_ =	shalt  }
0x40: {  	_ =	shalt  }
0x41: {  	_ =	shalt  }
0x42: {  	_ =	shalt  }
0x43: {  	_ =	shalt  }
0x44: {  	_ =	shalt  }
0x45: {  	_ =	shalt  }
0x46: {  	_ =	shalt  }
0x47: {  	_ =	shalt  }
0x48: {  	_ =	shalt  }
0x49: {  	_ =	shalt  }
0x4a: {  	_ =	shalt  }
0x4b: {  	_ =	shalt  }
0x4c: {  	_ =	shalt  }
0x4d: {  	_ =	shalt  }
0x4e: {  	_ =	shalt  }
0x4f: {  	_ =	shalt  }
0x50: {  	_ =	shalt  }
0x51: {  	_ =	shalt  }
0x52: {  	_ =	shalt  }
0x53: {  	_ =	shalt  }
0x54: {  	_ =	shalt  }
0x55: {  	_ =	shalt  }
0x56: {  	_ =	shalt  }
0x57: {  	_ =	shalt  }
0x58: {  	_ =	shalt  }
0x59: {  	_ =	shalt  }
0x5a: {  	_ =	shalt  }
0x5b: {  	_ =	shalt  }
0x5c: {  	_ =	shalt  }
0x5d: {  	_ =	shalt  }
0x5e: {  	_ =	shalt  }
0x5f: {  	_ =	shalt  }
0x60: {  	_ =	shalt  }
0x61: {  	_ =	shalt  }
0x62: {  	_ =	shalt  }
0x63: {  	_ =	shalt  }
0x64: {  	_ =	shalt  }
0x65: {  	_ =	shalt  }
0x66: {  	_ =	shalt  }
0x67: {  	_ =	shalt  }
0x68: {  	_ =	shalt  }
0x69: {  	_ =	shalt  }
0x6a: {  	_ =	shalt  }
0x6b: {  	_ =	shalt  }
0x6c: {  	_ =	shalt  }
0x6d: {  	_ =	shalt  }
0x6e: {  	_ =	shalt  }
0x6f: {  	_ =	shalt  }
0x70: {  	_ =	shalt  }
0x71: {  	_ =	shalt  }
0x72: {  	_ =	shalt  }
0x73: {  	_ =	shalt  }
0x74: {  	_ =	shalt  }
0x75: {  	_ =	shalt  }
0x76: {  	_ =	shalt  }
0x77: {  	_ =	shalt  }
0x78: {  	_ =	shalt  }
0x79: {  	_ =	shalt  }
0x7a: {  	_ =	shalt  }
0x7b: {  	_ =	shalt  }
0x7c: {  	_ =	shalt  }
0x7d: {  	_ =	shalt  }
0x7e: {  	_ =	shalt  }
0x7f: {  	_ =	shalt  }
0x80: {  	_ =	shalt  }
0x81: {  	_ =	shalt  }
0x82: {  	_ =	shalt  }
0x83: {  	_ =	shalt  }
0x84: {  	_ =	shalt  }
0x85: {  	_ =	shalt  }
0x86: {  	_ =	shalt  }
0x87: {  	_ =	shalt  }
.Lfunc_end0:
.L_simem_size_0:
called_computation_lowered:
.L_overlay_start_0:
0x88: {  	s2 =	sld [smem:$0x3FD9]  }
0x89: {  	s3 =	sld [smem:$0x3FFE];
	_ =	sdelay $0x1  }
0x8a: {  	s1 =	srdreg.scid  }
0x8b: {  	s0 =	sand.u32 $0x1, s1  }
0x8c: {  	s17 =	sshll.u32 s0, $0xA;
	s2 =	sadd.s32 s3, s2  }
0x8d: {  	s2 =	sadd.s32 s2, s17  }
0x8e: {  	[smem:$0x3FC5] =	sst s2  }
0x8f: {  	_ = 	snop  }
0x90: {  	s2 =	sld [smem:$0x3FC9];
	(tm) =	ssettm $0x1  }
0x91: {  	s18 =	sld [smem:$0x3FFB];
	_ =	sdelay $0x3  }
0x92: {  	_ =	strace s18  }
0x93: {  	s3 =	sld [smem:$0x3FFC];
	_ =	sdelay $0x3  }
0x94: {  	_ =	strace s3  }
0x95: {  	s3 =	sld [smem:$0x3FFD];
	_ =	sdelay $0x3  }
0x96: {  	_ =	strace s3  }
0x97: {  	_ =	strace $0x8FFFFFFF  }
0x98: {  	s19 =	sld [smem:$0x3FDB];
	_ =	sdelay $0x1  }
0x99: {  	s4 =	simm.s32 $_scs_section_size  }
0x9a: {  	s5 =	simm.s32 $_size__tile_overlayer_lowered;
	s6 =	simm.s32 $_tile_overlayer_lowered  }
0x9b: {  	s22 =	simm.s32 $0x1BFF;
	s21 =	sshll.u32 s6, $0x1;
	s3 =	sadd.s32 s4, s19  }
0x9c: {  	s7 =	simm.s32 $0x0;
	s20 =	sshll.u32 s5, $0x1;
	s5 =	sadd.s32 s21, s3  }
0x9d: {  	[timem:s7], [sflag:s22] =	dma.local [hbm:s5], s20  }
0x9e: {  	_ =	swait.ge [sflag:s22], s20  }
0x9f: {  	s4 =	ssub.s32 $0x0, s20;
	[sflag:s22] =	ssyncset.done $0x0  }
0xa0: {  	[sflag:s22] =	ssyncadd.s32 s4;
	_ =	sdelay $0x1  }
0xa1: {  	s23 =	simm.s32 $0x1B8B  }
0xa2: {  	_ =	swait.ge [sflag:s23], $0x1  }
0xa3: {  	[sflag:s23] =	ssyncset.done $0x0  }
0xa4: {  	s25 =	simm.s32 $0x1B8E;
	s24 =	sld [smem:$0x3FFE];
	[sflag:s23] =	ssyncadd.s32 $0xFFFFFFFF  }
0xa5: {  	s26 =	simm.s32 $execute0_lowered;
	[smem:$0x3FD2] =	sst s25  }
0xa6: {  	s5 =	sshll.u32 s26, $0x1;
	_ =	strace $0x80000046;
	[dreg:$0x1] =	wrdreg $0xFFFFFFFF  }
0xa7: {  	s28 =	simm.s32 $_size_execute0_lowered;
	s3 =	sadd.s32 s3, s5;
	[dreg:$0x0] =	wrdreg $0x0  }
0xa8: {  	s5 =	sshll.u32 s28, $0x1;
	[dreg:$0x2] =	wrdreg s3  }
0xa9: {  	[dreg:$0x3] =	wrdreg s5  }
0xaa: {  	[dreg:$0x4] =	wrdreg $0xC0  }
0xab: {  	_ =	task [dreg:s7], $0x5FFFF  }
0xac: {  	[dreg:$0x1] =	wrdreg $0xFFFFFFFF  }
0xad: {  	[dreg:$0x0] =	wrdreg $0x60  }
0xae: {  	[dreg:$0x2] =	wrdreg s2  }
0xaf: {  	[dreg:$0x3] =	wrdreg s24  }
0xb0: {  	[dreg:$0x4] =	wrdreg $0x9  }
0xb1: {  	_ =	task.clear_ibuf [dreg:s7], $0x5FFFF;
	_ =	strace $0x90000046  }
0xb2: {  	s29 =	simm.s32 $0x9;
	_ =	strace $0x80000048  }
0xb3: {  	_ =	swait.ge [sflag:s29], $0x1  }
0xb4: {  	[sflag:s29] =	ssyncadd.s32 $0xFFFFFFFF  }
0xb5: {  	_ =	strace $0x90000048  }
0xb6: {  	_ =	sfence  }
0xb7: {  	s30 =	sld [smem:$0x0];
	_ =	sdelay $0x2  }
0xb8: {  	s31 =	sshll.u32 s1, $0xD;
	s1 =	sshrl.u32 s1, $0x2  }
0xb9: {  	s3 =	sand.u32 $0x4000, s31;
	s1 =	sadd.s32 s1, s30  }
0xba: {  	s0 =	sor.u32 s3, s0;
	s1 =	sshll.u32 s1, $0x11  }
0xbb: {  	s0 =	sor.u32 s1, s0  }
0xbc: {  	s0 =	sadd.s32 $0x8F2B, s0  }
0xbd: {  	[sflag:s0] =	ssyncadd.remote.s32 $0x1  }
0xbe: {  	_ =	sfence.sel $0xFFFF  }
0xbf: {  	[dreg:$0x0] =	wrdreg $0xFFFFFFFF;
	(pc) =	sbr.abs _section_cstart, $3  }
0xc0: {  	[dreg:$0x1] =	wrdreg $0xFFFFFFFF  }
0xc1: {  	_ =	task.clear_ibuf [dreg:s7], $0x2FFFF;
	_ =	strace $0x9FFFFFFF  }
0xc2: {  	(tm) =	ssettm $0x7FFFFFFF  }
0xc3: {  	_ =	shalt  }
tec
execute0_lowered:
.L_overlay_start_1:
0x0: {  	(tag) =	ssettag $0x1  }
0x1: {  	s1 =	rddreg [dreg:$0x0]  }
0x2: {  	s4 =	rddreg [dreg:$0x1]  }
0x3: {  	s0 =	rddreg [dreg:$0x2];
	s3 =	simm.s32 $0x0;
	s2 =	stileid.u32  }
0x4: {  	s5 =	srdreg.scid;
	s10 =	simm.s32 $0x4000;
	s11 =	simm.s32 $0x2  }
0x5: {  	s12 =	simm.s32 $0x8000;
	s13 =	simm.s32 $0x3;
	s14 =	simm.s32 $0x0  }
0x6: {  	[smem:$0x7FF] =	sst s3;
	s6 =	sshll.u32 s2, $0x5;
	s5 =	sand.u32 $0x1, s5  }
0x7: {  	s7 =	sshll.u32 s2, $0x1;
	_ =	strace $0x80000047;
	s6 =	sand.u32 $0x180, s6  }
0x8: {  	s8 =	ssub.s32 $0x2, s5;
	s7 =	sor.u32 s5, s7;
	s6 =	sadd.s32 s6, s4  }
0x9: {  	s31 =	sshrl.u32 s8, $0x1;
	s5 =	sshll.u32 s7, $0x4;
	s4 =	sshll.u32 s7, $0x5  }
0xa: {  	s7 =	sshll.u32 s7, $0x10;
	s8 =	ssub.s32 s8, s31;
	s9 =	sand.u32 $0x70, s5  }
0xb: {  	s5 =	sadd.s32 $0x20, s4;
	s9 =	sadd.s32 s9, s6;
	s6 =	sadd.s32 s1, s7  }
0xc: {  	s8 =	smax.u32 s8, $0x1;
	s7 =	sadd.s32 $0x600, s9;
	s9 =	simm.s32 $0x1  }
.LBB2_1:
0xd: {  	v2 =	vimm.f32 $-Inf  }
0xe: {  	v4 =	vimm.f32 $-Inf;
	v19 =	vimm.f32 $-Inf;
	v27 =	vimm.f32 $-Inf  }
0xf: {  	v34 =	vimm.f32 $-Inf;
	v0 =	vimm.f32 $-Inf;
	v1 =	vimm.f32 $-Inf  }
0x10: {  	v5 =	vimm.f32 $-Inf;
	v3 =	vimm.f32 $-Inf;
	v24 =	vimm.f32 $-Inf  }
0x11: {  	v11 =	vimm.f32 $-Inf;
	v33 =	vimm.f32 $-Inf;
	v35 =	vimm.f32 $-Inf  }
0x12: {  	v32 =	vimm.f32 $-Inf;
	v10 =	vimm.f32 $-Inf;
	v6 =	vimm.f32 $-Inf  }
0x13: {  	v9 =	vimm.f32 $-Inf;
	v7 =	vimm.f32 $-Inf;
	v8 =	vimm.f32 $-Inf  }
0x14: {  	v15 =	vimm.f32 $-Inf;
	v16 =	vimm.f32 $-Inf;
	v20 =	vimm.f32 $-Inf  }
0x15: {  	v30 =	vimm.f32 $-Inf;
	v31 =	vimm.f32 $-Inf;
	v38 =	vimm.f32 $-Inf  }
0x16: {  	v13 =	vimm.f32 $-Inf;
	v12 =	vimm.f32 $-Inf;
	v21 =	vimm.f32 $-Inf  }
0x17: {  	v14 =	vimm.f32 $-Inf;
	v23 =	vimm.f32 $-Inf;
	v29 =	vimm.f32 $-Inf  }
0x18: {  	v37 =	vimm.f32 $-Inf;
	v39 =	vimm.f32 $-Inf;
	v36 =	vimm.f32 $-Inf  }
0x19: {  	[tilespmem:s3], [sflag:$0x1] =	stream.linear.gather [hbm4b:s6+s3], $0x4000, $0x38;
	v25 =	vimm.f32 $-Inf;
	v26 =	vimm.f32 $-Inf;
	v28 =	vimm.f32 $-Inf;
	[tilespmem:$0x8080] =	vst v63  }
0x1a: {  	v17 =	vimm.f32 $-Inf;
	v18 =	vimm.f32 $-Inf;
	v22 =	vimm.f32 $-Inf;
	s15 =	simm.s32 $0x0  }
.LBB2_2:
0x1b: {  	s16 =	sshll.u32 s15, $0x1  }
0x1c: {  	s16 =	sadd.s32 s4, s16  }
0x1d: {  	_ =	swait.ge [sflag:s9], $0x4000;
	s17 =	sshll.u32 s16, $0xB  }
0x1e: {  	[sflag:s9] =	ssyncset.done $0x0;
	s17 =	sadd.s32 s17, s1  }
0x1f: {  	s18 =	simm.s32 $0x0;
	[sflag:s9] =	ssyncadd.s32 $0xFFFFC000;
	s17 =	sadd.s32 $0x800, s17  }
0x20: {  	[tilespmem:s10], [sflag:$0x2] =	stream.linear.gather [hbm4b:s17+s18], $0x4000, $0x38;
	[tilespmem:$0x8080] =	vst v63  }
0x21: {  	s17 =	simm.s32 $0x0  }
0x22: {  	v42 =	vld [tilespmem:s17+$0x30]  }
0x23: {  	v45 =	vld [tilespmem:s17+$0x20]  }
0x24: {  	v43 =	vld [tilespmem:s17+$0x0]  }
0x25: {  	v44 =	vld [tilespmem:s17+$0x10]  }
0x26: {  	v40 =	vld [tilespmem:s17+$0xB0]  }
0x27: {  	v47 =	vld [tilespmem:s17+$0x80]  }
0x28: {  	v41 =	vmax.f32 v38, v42  }
0x29: {  	v42 =	vmin.f32 v38, v42;
	v38 =	vmax.f32 v23, v45;
	v49 =	vmax.f32 v22, v43  }
0x2a: {  	v52 =	vmin.f32 v25, v44;
	v25 =	vmax.f32 v25, v44;
	v56 =	vmin.f32 v22, v43  }
0x2b: {  	v45 =	vmin.f32 v23, v45;
	v46 =	vmin.f32 v31, v42;
	v50 =	vmin.f32 v41, v40  }
0x2c: {  	v31 =	vmax.f32 v31, v42;
	v62 =	vmin.f32 v36, v52;
	v55 =	vmin.f32 v49, v47  }
0x2d: {  	v48 =	vld [tilespmem:s17+$0x90];
	v57 =	vmax.f32 v18, v56;
	v36 =	vmax.f32 v36, v52;
	v63 =	vmin.f32 v18, v56  }
0x2e: {  	v18 =	vmax.f32 v49, v47;
	v47 =	vmax.f32 v14, v45;
	v51 =	vmax.f32 v30, v46  }
0x2f: {  	v30 =	vmin.f32 v30, v46;
	v61 =	vmin.f32 v31, v50;
	v44 =	vmax.f32 v39, v62  }
0x30: {  	v22 =	vmax.f32 v57, v55;
	v49 =	vmax.f32 v17, v63;
	v31 =	vmax.f32 v31, v50  }
0x31: {  	v42 =	vld [tilespmem:s17+$0xA0];
	v50 =	vmin.f32 v17, v63;
	v53 =	vmax.f32 v20, v30;
	v54 =	vmin.f32 v51, v61  }
0x32: {  	v20 =	vmin.f32 v20, v30;
	v30 =	vmin.f32 v39, v62;
	v39 =	vmin.f32 v25, v48  }
0x33: {  	v17 =	vmin.f32 v28, v50;
	v20 =	vmax.f32 v16, v20;
	v16 =	vmax.f32 v25, v48  }
0x34: {  	v43 =	vmax.f32 v37, v30;
	v37 =	vmin.f32 v37, v30;
	v30 =	vmin.f32 v53, v54  }
0x35: {  	v25 =	vmax.f32 v53, v54;
	v48 =	vmin.f32 v57, v55;
	v20 =	vmax.f32 v20, v30  }
0x36: {  	v30 =	vmax.f32 v51, v61;
	v23 =	vmax.f32 v49, v48;
	v46 =	vmin.f32 v38, v42  }
0x37: {  	s18 =	simm.s32 $0x400;
	v51 =	vmin.f32 v14, v45;
	v45 =	vmin.f32 v36, v39;
	v14 =	vmax.f32 v47, v46  }
.LBB2_3:
0x38: {  	s19 =	sshra.s32 s18, $0x2;
	p0 =	sne.s32 s18, $0xFC00;
	s18 =	sadd.s32 $0x400, s18;
	v52 =	vmax.f32 v21, v51;
	v48 =	vmin.f32 v49, v48;
	v36 =	vmax.f32 v36, v39;
	v49 =	vmovc v22  }
0x39: {  	v50 =	vmax.f32 v28, v50;
	v51 =	vmin.f32 v21, v51;
	v53 =	vmax.f32 v41, v40;
	v54 =	vmovc v23;
	v39 =	vld [tilespmem:s19+$0xA0]  }
0x3a: {  	v17 =	vmax.f32 v26, v17;
	v29 =	vmax.f32 v29, v37;
	v55 =	vmax.f32 v38, v42;
	v40 =	vld [tilespmem:s19+$0xB0]  }
0x3b: {  	v41 =	vmin.f32 v44, v45;
	v42 =	vmin.f32 v47, v46;
	v38 =	vmin.f32 v12, v51;
	v37 =	vld [tilespmem:s19+$0x30]  }
0x3c: {  	v28 =	vmax.f32 v50, v48;
	v26 =	vmin.f32 v50, v48;
	v21 =	vmax.f32 v52, v42;
	v46 =	vld [tilespmem:s19+$0x20]  }
0x3d: {  	v48 =	vmax.f32 v12, v51;
	v26 =	vmax.f32 v17, v26;
	v17 =	vmin.f32 v52, v42;
	v47 =	vld [tilespmem:s19+$0x0]  }
0x3e: {  	v44 =	vmax.f32 v44, v45;
	v45 =	vmax.f32 v43, v41;
	v12 =	vmax.f32 v48, v17;
	v50 =	vld [tilespmem:s19+$0x10];
	v42 =	vmovc v39  }
0x3f: {  	v13 =	vmax.f32 v13, v38;
	v38 =	vmin.f32 v43, v41;
	v17 =	vmin.f32 v48, v17  }
0x40: {  	v29 =	vmax.f32 v29, v38;
	v41 =	vmax.f32 v53, v37;
	v37 =	vmin.f32 v53, v37  }
0x41: {  	v13 =	vmax.f32 v13, v17;
	v39 =	vmin.f32 v31, v37;
	v48 =	vld [tilespmem:s19+$0x80];
	v51 =	vmin.f32 v41, v40  }
0x42: {  	v38 =	vmax.f32 v55, v46;
	v17 =	vmax.f32 v31, v37;
	v52 =	vmax.f32 v30, v39;
	v31 =	vld [tilespmem:s19+$0x90]  }
0x43: {  	v53 =	vmax.f32 v18, v47;
	v30 =	vmin.f32 v30, v39;
	v56 =	vmin.f32 v17, v51  }
0x44: {  	v57 =	vmin.f32 v16, v50;
	v58 =	vmax.f32 v25, v30;
	v59 =	vmin.f32 v52, v56  }
0x45: {  	v37 =	vmax.f32 v16, v50;
	v25 =	vmin.f32 v25, v30;
	v16 =	vmin.f32 v36, v57  }
0x46: {  	v20 =	vmax.f32 v20, v25;
	v30 =	vmin.f32 v44, v16;
	v50 =	vmin.f32 v53, v48  }
0x47: {  	v18 =	vmin.f32 v18, v47;
	v44 =	vmax.f32 v44, v16;
	v16 =	vmax.f32 v37, v31  }
0x48: {  	v47 =	vmax.f32 v22, v18;
	v43 =	vmax.f32 v45, v30;
	v39 =	vmin.f32 v37, v31  }
0x49: {  	v37 =	vmin.f32 v45, v30;
	v22 =	vmax.f32 v47, v50;
	v30 =	vmin.f32 v58, v59  }
0x4a: {  	v36 =	vmax.f32 v36, v57;
	v25 =	vmax.f32 v58, v59;
	v20 =	vmax.f32 v20, v30  }
.Ltmp0:
0x4b: {  	v45 =	vmin.f32 v49, v18;
	v18 =	vmax.f32 v53, v48;
	v48 =	vmin.f32 v47, v50;
	(pc) =	sbr.rel @p0 .LBB2_3-.Ltmp0, $4  }
0x4c: {  	v31 =	vmax.f32 v17, v51;
	v49 =	vmax.f32 v23, v45;
	v30 =	vmax.f32 v52, v56  }
0x4d: {  	v17 =	vmin.f32 v55, v46;
	v46 =	vmin.f32 v38, v42;
	v23 =	vmax.f32 v49, v48  }
0x4e: {  	v50 =	vmin.f32 v54, v45;
	v47 =	vmax.f32 v14, v17;
	v51 =	vmin.f32 v14, v17  }
0x4f: {  	v45 =	vmin.f32 v36, v39;
	v17 =	vmin.f32 v28, v50;
	v14 =	vmax.f32 v47, v46  }
0x50: {  	v52 =	vmax.f32 v21, v51;
	v48 =	vmin.f32 v49, v48;
	v36 =	vmax.f32 v36, v39  }
0x51: {  	v28 =	vmax.f32 v28, v50;
	v60 =	vmin.f32 v21, v51;
	v39 =	vmax.f32 v41, v40  }
0x52: {  	v61 =	vmax.f32 v26, v17;
	v29 =	vmax.f32 v29, v37;
	v17 =	vmax.f32 v38, v42;
	v54 =	vld [tilespmem:s17+$0x70]  }
0x53: {  	v63 =	vmin.f32 v44, v45;
	v53 =	vmin.f32 v47, v46;
	v51 =	vld [tilespmem:s17+$0x60];
	v38 =	vmax.f32 v44, v45  }
0x54: {  	v44 =	vld [tilespmem:s17+$0x40];
	v62 =	vmin.f32 v12, v60;
	v21 =	vmax.f32 v28, v48;
	v28 =	vmin.f32 v28, v48  }
0x55: {  	v59 =	vld [tilespmem:s17+$0x50];
	v26 =	vmax.f32 v52, v53;
	v55 =	vmax.f32 v12, v60;
	v56 =	vmin.f32 v52, v53  }
0x56: {  	v40 =	vld [tilespmem:s17+$0xF0];
	v37 =	vmax.f32 v43, v63;
	v57 =	vmin.f32 v43, v63;
	v28 =	vmax.f32 v61, v28  }
0x57: {  	v12 =	vmax.f32 v55, v56;
	v13 =	vmax.f32 v13, v62;
	v58 =	vmin.f32 v55, v56  }
0x58: {  	v29 =	vmax.f32 v29, v57;
	v13 =	vmax.f32 v13, v58;
	v41 =	vmax.f32 v34, v54  }
0x59: {  	v46 =	vld [tilespmem:s17+$0xC0];
	v60 =	vmin.f32 v34, v54;
	v34 =	vmax.f32 v24, v51;
	v49 =	vmax.f32 v15, v44  }
0x5a: {  	v53 =	vmin.f32 v10, v59;
	v10 =	vmax.f32 v10, v59;
	v56 =	vmin.f32 v15, v44  }
0x5b: {  	v62 =	vld [tilespmem:s17+$0xD0];
	v61 =	vmin.f32 v27, v60;
	v47 =	vmin.f32 v41, v40;
	v27 =	vmax.f32 v27, v60  }
0x5c: {  	v60 =	vmin.f32 v32, v53;
	v57 =	vmax.f32 v8, v56;
	v32 =	vmax.f32 v32, v53  }
0x5d: {  	v50 =	vmax.f32 v19, v61;
	v19 =	vmin.f32 v19, v61;
	v63 =	vmin.f32 v27, v47  }
0x5e: {  	v61 =	vmin.f32 v49, v46;
	v44 =	vmax.f32 v35, v60;
	v27 =	vmax.f32 v27, v47  }
0x5f: {  	v54 =	vmax.f32 v4, v19;
	v55 =	vmin.f32 v50, v63;
	v4 =	vmin.f32 v4, v19  }
0x60: {  	v42 =	vld [tilespmem:s17+$0xE0];
	v19 =	vmin.f32 v35, v60;
	v35 =	vmin.f32 v10, v62;
	v15 =	vmax.f32 v57, v61  }
0x61: {  	v48 =	vmin.f32 v57, v61;
	v4 =	vmax.f32 v2, v4;
	v2 =	vmax.f32 v10, v62  }
0x62: {  	v43 =	vmax.f32 v33, v19;
	v33 =	vmin.f32 v33, v19;
	v10 =	vmin.f32 v54, v55  }
0x63: {  	v19 =	vmax.f32 v54, v55;
	v62 =	vmin.f32 v8, v56;
	v8 =	vmax.f32 v50, v63  }
0x64: {  	v63 =	vmin.f32 v24, v51;
	v45 =	vmin.f32 v32, v35;
	v10 =	vmax.f32 v4, v10  }
0x65: {  	v4 =	vmax.f32 v49, v46;
	v49 =	vmax.f32 v7, v62;
	v46 =	vmin.f32 v34, v42  }
0x66: {  	v51 =	vmin.f32 v7, v62;
	v47 =	vmax.f32 v3, v63;
	v52 =	vmin.f32 v3, v63  }
0x67: {  	s17 =	simm.s32 $0x400;
	v24 =	vmax.f32 v49, v48;
	v50 =	vmin.f32 v9, v51;
	v3 =	vmax.f32 v47, v46  }
.LBB2_5:
0x68: {  	s18 =	sshra.s32 s17, $0x2;
	p0 =	sne.s32 s17, $0xFC00;
	s17 =	sadd.s32 $0x400, s17;
	v7 =	vmax.f32 v5, v52;
	v48 =	vmin.f32 v49, v48;
	v32 =	vmax.f32 v32, v35;
	v49 =	vmovc v15  }
0x69: {  	v51 =	vmax.f32 v9, v51;
	v52 =	vmin.f32 v5, v52;
	v53 =	vmax.f32 v41, v40;
	v54 =	vmovc v24;
	v35 =	vld [tilespmem:s18+$0xE0]  }
0x6a: {  	v6 =	vmax.f32 v6, v50;
	v11 =	vmax.f32 v11, v33;
	v50 =	vmax.f32 v34, v42;
	v40 =	vld [tilespmem:s18+$0xF0]  }
0x6b: {  	v41 =	vmin.f32 v44, v45;
	v42 =	vmin.f32 v47, v46;
	v34 =	vmin.f32 v1, v52;
	v33 =	vld [tilespmem:s18+$0x70]  }
0x6c: {  	v9 =	vmax.f32 v51, v48;
	v47 =	vmin.f32 v51, v48;
	v5 =	vmax.f32 v7, v42;
	v46 =	vld [tilespmem:s18+$0x60]  }
0x6d: {  	v51 =	vmax.f32 v1, v52;
	v7 =	vmin.f32 v7, v42;
	v6 =	vmax.f32 v6, v47;
	v48 =	vld [tilespmem:s18+$0x40]  }
0x6e: {  	v44 =	vmax.f32 v44, v45;
	v45 =	vmax.f32 v43, v41;
	v1 =	vmax.f32 v51, v7;
	v47 =	vld [tilespmem:s18+$0x50];
	v42 =	vmovc v35  }
0x6f: {  	v0 =	vmax.f32 v0, v34;
	v34 =	vmin.f32 v43, v41;
	v7 =	vmin.f32 v51, v7  }
0x70: {  	v11 =	vmax.f32 v11, v34;
	v41 =	vmax.f32 v53, v33;
	v33 =	vmin.f32 v53, v33  }
0x71: {  	v0 =	vmax.f32 v0, v7;
	v35 =	vmin.f32 v27, v33;
	v51 =	vld [tilespmem:s18+$0xC0];
	v52 =	vmin.f32 v41, v40  }
0x72: {  	v34 =	vmax.f32 v50, v46;
	v7 =	vmax.f32 v27, v33;
	v53 =	vmax.f32 v8, v35;
	v27 =	vld [tilespmem:s18+$0xD0]  }
0x73: {  	v55 =	vmax.f32 v4, v48;
	v8 =	vmin.f32 v8, v35;
	v56 =	vmin.f32 v7, v52  }
0x74: {  	v57 =	vmin.f32 v2, v47;
	v58 =	vmax.f32 v19, v8;
	v59 =	vmin.f32 v53, v56  }
0x75: {  	v33 =	vmax.f32 v2, v47;
	v8 =	vmin.f32 v19, v8;
	v2 =	vmin.f32 v32, v57  }
0x76: {  	v8 =	vmax.f32 v10, v8;
	v19 =	vmin.f32 v44, v2;
	v47 =	vmin.f32 v55, v51  }
0x77: {  	v4 =	vmin.f32 v4, v48;
	v44 =	vmax.f32 v44, v2;
	v2 =	vmax.f32 v33, v27  }
0x78: {  	v48 =	vmax.f32 v15, v4;
	v43 =	vmax.f32 v45, v19;
	v35 =	vmin.f32 v33, v27  }
0x79: {  	v10 =	vmin.f32 v58, v59;
	v33 =	vmin.f32 v45, v19;
	v15 =	vmax.f32 v48, v47  }
0x7a: {  	v32 =	vmax.f32 v32, v57;
	v10 =	vmax.f32 v8, v10;
	v19 =	vmax.f32 v58, v59  }
.Ltmp1:
0x7b: {  	v45 =	vmin.f32 v49, v4;
	v4 =	vmax.f32 v55, v51;
	v48 =	vmin.f32 v48, v47;
	(pc) =	sbr.rel @p0 .LBB2_5-.Ltmp1, $4  }
0x7c: {  	v8 =	vmax.f32 v53, v56;
	v27 =	vmax.f32 v7, v52;
	v49 =	vmax.f32 v24, v45  }
0x7d: {  	v7 =	vmin.f32 v50, v46;
	v46 =	vmin.f32 v34, v42;
	v24 =	vmax.f32 v49, v48  }
0x7e: {  	v51 =	vmin.f32 v54, v45;
	v47 =	vmax.f32 v3, v7;
	v52 =	vmin.f32 v3, v7  }
0x7f: {  	v45 =	vmin.f32 v32, v35;
	v50 =	vmin.f32 v9, v51;
	v3 =	vmax.f32 v47, v46  }
0x80: {  	s16 =	sadd.s32 $0x2, s16  }
0x81: {  	p0 =	sge.u32 s16, s5  }
0x82: {  	_ =	swait.ge [sflag:s11], $0x4000;
	s16 =	sshll.u32 @!p0 s16, $0xB  }
0x83: {  	[sflag:s11] =	ssyncset.done $0x0;
	s16 =	sand.u32 @!p0 $0x1FFFF000, s16  }
0x84: {  	[sflag:s11] =	ssyncadd.s32 $0xFFFFC000;
	s17 =	simm.s32 @!p0 $0x0;
	s16 =	sadd.s32 @!p0 s1, s16  }
0x85: {  	v53 =	vmax.f32 v5, v52;
	v48 =	vmin.f32 v49, v48;
	v7 =	vmax.f32 v32, v35;
	[tilespmem:s17], [sflag:$0x1] =	stream.linear.gather @!p0 [hbm4b:s16+s17], $0x4000, $0x38;
	[tilespmem:$0x8080] =	vst v63  }
0x86: {  	v9 =	vmax.f32 v9, v51;
	v60 =	vmin.f32 v5, v52;
	v35 =	vmax.f32 v41, v40;
	s16 =	simm.s32 $0x0  }
0x87: {  	v61 =	vmax.f32 v6, v50;
	v11 =	vmax.f32 v11, v33;
	v32 =	vmax.f32 v34, v42;
	v54 =	vld [tilespmem:s16+$0x4030]  }
0x88: {  	v63 =	vmin.f32 v44, v45;
	v52 =	vmin.f32 v47, v46;
	v34 =	vmax.f32 v44, v45;
	v51 =	vld [tilespmem:s16+$0x4020]  }
0x89: {  	v62 =	vmin.f32 v1, v60;
	v5 =	vmax.f32 v9, v48;
	v9 =	vmin.f32 v9, v48;
	v44 =	vld [tilespmem:s16+$0x4000]  }
0x8a: {  	v6 =	vmax.f32 v53, v52;
	v55 =	vmax.f32 v1, v60;
	v56 =	vmin.f32 v53, v52;
	v59 =	vld [tilespmem:s16+$0x4010]  }
0x8b: {  	v33 =	vmax.f32 v43, v63;
	v57 =	vmin.f32 v43, v63;
	v9 =	vmax.f32 v61, v9;
	v40 =	vld [tilespmem:s16+$0x40B0]  }
0x8c: {  	v1 =	vmax.f32 v55, v56;
	v0 =	vmax.f32 v0, v62;
	v58 =	vmin.f32 v55, v56;
	v46 =	vld [tilespmem:s16+$0x4080]  }
0x8d: {  	v11 =	vmax.f32 v11, v57;
	v0 =	vmax.f32 v0, v58;
	v41 =	vmax.f32 v39, v54  }
0x8e: {  	v61 =	vmin.f32 v39, v54;
	v39 =	vmax.f32 v17, v51;
	v49 =	vmax.f32 v18, v44  }
0x8f: {  	v60 =	vmin.f32 v16, v59;
	v16 =	vmax.f32 v16, v59;
	v57 =	vmin.f32 v18, v44  }
0x90: {  	v51 =	vmin.f32 v17, v51;
	v62 =	vmin.f32 v31, v61;
	v47 =	vmin.f32 v41, v40  }
0x91: {  	v31 =	vmax.f32 v31, v61;
	v61 =	vmin.f32 v36, v60;
	v56 =	vmin.f32 v49, v46  }
0x92: {  	v63 =	vld [tilespmem:s16+$0x4090];
	v58 =	vmax.f32 v22, v57;
	v36 =	vmax.f32 v36, v60;
	v50 =	vmax.f32 v30, v62  }
0x93: {  	v30 =	vmin.f32 v30, v62;
	v52 =	vmin.f32 v31, v47;
	v44 =	vmax.f32 v38, v61  }
0x94: {  	v18 =	vmax.f32 v58, v56;
	v48 =	vmin.f32 v58, v56;
	v31 =	vmax.f32 v31, v47  }
0x95: {  	v42 =	vld [tilespmem:s16+$0x40A0];
	v47 =	vmax.f32 v14, v51;
	v51 =	vmin.f32 v14, v51;
	v54 =	vmax.f32 v25, v30  }
0x96: {  	v55 =	vmin.f32 v50, v52;
	v25 =	vmin.f32 v25, v30;
	v30 =	vmin.f32 v38, v61  }
0x97: {  	v38 =	vmin.f32 v16, v63;
	v62 =	vmax.f32 v20, v25;
	v25 =	vmax.f32 v16, v63  }
0x98: {  	v43 =	vmax.f32 v37, v30;
	v37 =	vmin.f32 v37, v30;
	v16 =	vmin.f32 v54, v55  }
0x99: {  	v20 =	vmax.f32 v54, v55;
	v63 =	vmin.f32 v22, v57;
	v22 =	vmax.f32 v49, v46  }
0x9a: {  	v30 =	vmax.f32 v50, v52;
	v46 =	vmin.f32 v39, v42;
	v45 =	vmin.f32 v36, v38  }
0x9b: {  	v16 =	vmax.f32 v62, v16;
	v49 =	vmax.f32 v23, v63;
	v50 =	vmin.f32 v23, v63  }
0x9c: {  	s17 =	simm.s32 $0x400;
	v14 =	vmax.f32 v47, v46;
	v17 =	vmax.f32 v49, v48;
	v23 =	vmin.f32 v21, v50  }
.LBB2_7:
0x9d: {  	s18 =	sshra.s32 s17, $0x2;
	p0 =	sne.s32 s17, $0xFC00;
	s17 =	sadd.s32 $0x400, s17;
	v52 =	vmax.f32 v26, v51;
	v48 =	vmin.f32 v49, v48;
	v36 =	vmax.f32 v36, v38;
	v49 =	vmovc v18  }
0x9e: {  	v50 =	vmax.f32 v21, v50;
	v51 =	vmin.f32 v26, v51;
	v53 =	vmax.f32 v41, v40;
	v54 =	vmovc v17;
	v38 =	vld [tilespmem:s18+$0x40A0]  }
0x9f: {  	v23 =	vmax.f32 v28, v23;
	v29 =	vmax.f32 v29, v37;
	v55 =	vmax.f32 v39, v42;
	v40 =	vld [tilespmem:s18+$0x40B0]  }
0xa0: {  	v41 =	vmin.f32 v44, v45;
	v42 =	vmin.f32 v47, v46;
	v39 =	vmin.f32 v12, v51;
	v37 =	vld [tilespmem:s18+$0x4030]  }
0xa1: {  	v21 =	vmax.f32 v50, v48;
	v28 =	vmin.f32 v50, v48;
	v26 =	vmax.f32 v52, v42;
	v46 =	vld [tilespmem:s18+$0x4020]  }
0xa2: {  	v48 =	vmax.f32 v12, v51;
	v28 =	vmax.f32 v23, v28;
	v23 =	vmin.f32 v52, v42;
	v47 =	vld [tilespmem:s18+$0x4000]  }
0xa3: {  	v44 =	vmax.f32 v44, v45;
	v45 =	vmax.f32 v43, v41;
	v12 =	vmax.f32 v48, v23;
	v50 =	vld [tilespmem:s18+$0x4010];
	v42 =	vmovc v38  }
0xa4: {  	v13 =	vmax.f32 v13, v39;
	v23 =	vmin.f32 v48, v23;
	v38 =	vmin.f32 v43, v41  }
0xa5: {  	v29 =	vmax.f32 v29, v38;
	v41 =	vmax.f32 v53, v37;
	v37 =	vmin.f32 v53, v37  }
0xa6: {  	v13 =	vmax.f32 v13, v23;
	v38 =	vmin.f32 v31, v37;
	v48 =	vld [tilespmem:s18+$0x4080];
	v51 =	vmin.f32 v41, v40  }
0xa7: {  	v39 =	vmax.f32 v55, v46;
	v23 =	vmax.f32 v31, v37;
	v52 =	vmax.f32 v30, v38;
	v31 =	vld [tilespmem:s18+$0x4090]  }
0xa8: {  	v53 =	vmax.f32 v22, v47;
	v30 =	vmin.f32 v30, v38;
	v56 =	vmin.f32 v23, v51  }
0xa9: {  	v57 =	vmin.f32 v25, v50;
	v58 =	vmax.f32 v20, v30;
	v59 =	vmin.f32 v52, v56  }
0xaa: {  	v37 =	vmax.f32 v25, v50;
	v20 =	vmin.f32 v20, v30;
	v25 =	vmin.f32 v36, v57  }
0xab: {  	v16 =	vmax.f32 v16, v20;
	v30 =	vmin.f32 v44, v25;
	v50 =	vmin.f32 v53, v48  }
0xac: {  	v22 =	vmin.f32 v22, v47;
	v44 =	vmax.f32 v44, v25;
	v25 =	vmax.f32 v37, v31  }
0xad: {  	v47 =	vmax.f32 v18, v22;
	v43 =	vmax.f32 v45, v30;
	v38 =	vmin.f32 v37, v31  }
0xae: {  	v37 =	vmin.f32 v45, v30;
	v18 =	vmax.f32 v47, v50;
	v30 =	vmin.f32 v58, v59  }
0xaf: {  	v36 =	vmax.f32 v36, v57;
	v20 =	vmax.f32 v58, v59;
	v16 =	vmax.f32 v16, v30  }
.Ltmp2:
0xb0: {  	v45 =	vmin.f32 v49, v22;
	v22 =	vmax.f32 v53, v48;
	v48 =	vmin.f32 v47, v50;
	(pc) =	sbr.rel @p0 .LBB2_7-.Ltmp2, $4  }
0xb1: {  	v31 =	vmax.f32 v23, v51;
	v49 =	vmax.f32 v17, v45;
	v30 =	vmax.f32 v52, v56  }
0xb2: {  	v23 =	vmin.f32 v55, v46;
	v46 =	vmin.f32 v39, v42;
	v17 =	vmax.f32 v49, v48  }
0xb3: {  	v50 =	vmin.f32 v54, v45;
	v47 =	vmax.f32 v14, v23;
	v51 =	vmin.f32 v14, v23  }
0xb4: {  	v45 =	vmin.f32 v36, v38;
	v23 =	vmin.f32 v21, v50;
	v14 =	vmax.f32 v47, v46  }
0xb5: {  	v52 =	vmax.f32 v26, v51;
	v48 =	vmin.f32 v49, v48;
	v36 =	vmax.f32 v36, v38  }
0xb6: {  	v21 =	vmax.f32 v21, v50;
	v26 =	vmin.f32 v26, v51;
	v38 =	vmax.f32 v41, v40  }
0xb7: {  	v61 =	vmax.f32 v28, v23;
	v29 =	vmax.f32 v29, v37;
	v23 =	vmax.f32 v39, v42;
	v53 =	vld [tilespmem:s16+$0x4070]  }
0xb8: {  	v63 =	vmin.f32 v44, v45;
	v51 =	vmin.f32 v47, v46;
	v39 =	vmax.f32 v44, v45;
	v44 =	vld [tilespmem:s16+$0x4040]  }
0xb9: {  	v59 =	vld [tilespmem:s16+$0x4050];
	v62 =	vmin.f32 v12, v26;
	v28 =	vmax.f32 v21, v48;
	v54 =	vmin.f32 v21, v48  }
0xba: {  	v40 =	vld [tilespmem:s16+$0x40F0];
	v21 =	vmax.f32 v52, v51;
	v55 =	vmax.f32 v12, v26;
	v56 =	vmin.f32 v52, v51  }
0xbb: {  	v48 =	vld [tilespmem:s16+$0x4060];
	v37 =	vmax.f32 v43, v63;
	v57 =	vmin.f32 v43, v63;
	v26 =	vmax.f32 v61, v54  }
0xbc: {  	v46 =	vld [tilespmem:s16+$0x40C0];
	v12 =	vmax.f32 v55, v56;
	v13 =	vmax.f32 v13, v62;
	v58 =	vmin.f32 v55, v56  }
0xbd: {  	v29 =	vmax.f32 v29, v57;
	v13 =	vmax.f32 v13, v58;
	v41 =	vmax.f32 v35, v53  }
0xbe: {  	v60 =	vmin.f32 v35, v53;
	v49 =	vmax.f32 v4, v44;
	v63 =	vmin.f32 v2, v59  }
0xbf: {  	v2 =	vmax.f32 v2, v59;
	v57 =	vmin.f32 v4, v44;
	v61 =	vmin.f32 v27, v60  }
0xc0: {  	v51 =	vmin.f32 v41, v40;
	v35 =	vmax.f32 v32, v48;
	v27 =	vmax.f32 v27, v60  }
0xc1: {  	v62 =	vld [tilespmem:s16+$0x40D0];
	v60 =	vmin.f32 v7, v63;
	v56 =	vmin.f32 v49, v46;
	v58 =	vmax.f32 v15, v57  }
0xc2: {  	v47 =	vmax.f32 v7, v63;
	v63 =	vmin.f32 v32, v48;
	v52 =	vmax.f32 v8, v61  }
0xc3: {  	v8 =	vmin.f32 v8, v61;
	v53 =	vmin.f32 v27, v51;
	v44 =	vmax.f32 v34, v60  }
0xc4: {  	v27 =	vmax.f32 v27, v51;
	v48 =	vmax.f32 v3, v63;
	v54 =	vmax.f32 v19, v8  }
0xc5: {  	v42 =	vld [tilespmem:s16+$0x40E0];
	v55 =	vmin.f32 v52, v53;
	v8 =	vmin.f32 v19, v8;
	v19 =	vmin.f32 v34, v60  }
0xc6: {  	v34 =	vmin.f32 v2, v62;
	v61 =	vmax.f32 v10, v8;
	v10 =	vmax.f32 v2, v62  }
0xc7: {  	v43 =	vmax.f32 v33, v19;
	v33 =	vmin.f32 v33, v19;
	v8 =	vmax.f32 v58, v56  }
0xc8: {  	v2 =	vmin.f32 v54, v55;
	v4 =	vmax.f32 v54, v55;
	v62 =	vmin.f32 v15, v57  }
0xc9: {  	v15 =	vmax.f32 v49, v46;
	v49 =	vmin.f32 v58, v56;
	v19 =	vmax.f32 v52, v53  }
0xca: {  	v46 =	vmin.f32 v35, v42;
	v52 =	vmin.f32 v3, v63;
	v45 =	vmin.f32 v47, v34  }
0xcb: {  	v2 =	vmax.f32 v61, v2;
	v50 =	vmax.f32 v24, v62;
	v51 =	vmin.f32 v24, v62  }
0xcc: {  	s16 =	simm.s32 $0x400;
	v3 =	vmax.f32 v48, v46;
	v7 =	vmax.f32 v50, v49;
	v24 =	vmin.f32 v5, v51  }
.LBB2_9:
0xcd: {  	s17 =	sshra.s32 s16, $0x2;
	p0 =	sne.s32 s16, $0xFC00;
	s16 =	sadd.s32 $0x400, s16;
	v32 =	vmax.f32 v6, v52;
	v49 =	vmin.f32 v50, v49;
	v47 =	vmax.f32 v47, v34;
	v50 =	vmovc v8  }
0xce: {  	v51 =	vmax.f32 v5, v51;
	v52 =	vmin.f32 v6, v52;
	v53 =	vmax.f32 v41, v40;
	v54 =	vmovc v7;
	v34 =	vld [tilespmem:s17+$0x40E0]  }
0xcf: {  	v9 =	vmax.f32 v9, v24;
	v11 =	vmax.f32 v11, v33;
	v24 =	vmax.f32 v35, v42;
	v40 =	vld [tilespmem:s17+$0x40F0]  }
0xd0: {  	v41 =	vmin.f32 v44, v45;
	v42 =	vmin.f32 v48, v46;
	v35 =	vmin.f32 v1, v52;
	v33 =	vld [tilespmem:s17+$0x4070]  }
0xd1: {  	v5 =	vmax.f32 v51, v49;
	v48 =	vmin.f32 v51, v49;
	v6 =	vmax.f32 v32, v42;
	v46 =	vld [tilespmem:s17+$0x4060]  }
0xd2: {  	v51 =	vmax.f32 v1, v52;
	v32 =	vmin.f32 v32, v42;
	v9 =	vmax.f32 v9, v48;
	v49 =	vld [tilespmem:s17+$0x4040]  }
0xd3: {  	v44 =	vmax.f32 v44, v45;
	v45 =	vmax.f32 v43, v41;
	v1 =	vmax.f32 v51, v32;
	v48 =	vld [tilespmem:s17+$0x4050];
	v42 =	vmovc v34  }
0xd4: {  	v0 =	vmax.f32 v0, v35;
	v32 =	vmin.f32 v51, v32;
	v34 =	vmin.f32 v43, v41  }
0xd5: {  	v11 =	vmax.f32 v11, v34;
	v41 =	vmax.f32 v53, v33;
	v33 =	vmin.f32 v53, v33  }
0xd6: {  	v0 =	vmax.f32 v0, v32;
	v34 =	vmin.f32 v27, v33;
	v51 =	vld [tilespmem:s17+$0x40C0];
	v52 =	vmin.f32 v41, v40  }
0xd7: {  	v35 =	vmax.f32 v24, v46;
	v27 =	vmax.f32 v27, v33;
	v32 =	vmax.f32 v19, v34;
	v33 =	vld [tilespmem:s17+$0x40D0]  }
0xd8: {  	v53 =	vmax.f32 v15, v49;
	v19 =	vmin.f32 v19, v34;
	v55 =	vmin.f32 v27, v52  }
0xd9: {  	v56 =	vmin.f32 v10, v48;
	v57 =	vmax.f32 v4, v19;
	v58 =	vmin.f32 v32, v55  }
0xda: {  	v34 =	vmax.f32 v10, v48;
	v4 =	vmin.f32 v4, v19;
	v10 =	vmin.f32 v47, v56  }
0xdb: {  	v2 =	vmax.f32 v2, v4;
	v19 =	vmin.f32 v44, v10;
	v48 =	vmin.f32 v53, v51  }
0xdc: {  	v15 =	vmin.f32 v15, v49;
	v44 =	vmax.f32 v44, v10;
	v10 =	vmax.f32 v34, v33  }
0xdd: {  	v49 =	vmax.f32 v8, v15;
	v43 =	vmax.f32 v45, v19;
	v34 =	vmin.f32 v34, v33  }
0xde: {  	v33 =	vmin.f32 v45, v19;
	v8 =	vmax.f32 v49, v48;
	v19 =	vmin.f32 v57, v58  }
0xdf: {  	v47 =	vmax.f32 v47, v56;
	v4 =	vmax.f32 v57, v58;
	v2 =	vmax.f32 v2, v19  }
.Ltmp3:
0xe0: {  	v45 =	vmin.f32 v50, v15;
	v15 =	vmax.f32 v53, v51;
	v49 =	vmin.f32 v49, v48;
	(pc) =	sbr.rel @p0 .LBB2_9-.Ltmp3, $4  }
0xe1: {  	v27 =	vmax.f32 v27, v52;
	v50 =	vmax.f32 v7, v45;
	v19 =	vmax.f32 v32, v55  }
0xe2: {  	v24 =	vmin.f32 v24, v46;
	v46 =	vmin.f32 v35, v42;
	v7 =	vmax.f32 v50, v49  }
0xe3: {  	v52 =	vmin.f32 v3, v24;
	v48 =	vmax.f32 v3, v24;
	v51 =	vmin.f32 v54, v45  }
0xe4: {  	v45 =	vmin.f32 v47, v34;
	v3 =	vmax.f32 v48, v46;
	v24 =	vmin.f32 v5, v51  }
0xe5: {  	v53 =	vmax.f32 v6, v52;
	v49 =	vmin.f32 v50, v49  }
0xe6: {  	v32 =	vmax.f32 v47, v34;
	v5 =	vmax.f32 v5, v51;
	v6 =	vmin.f32 v6, v52  }
0xe7: {  	v34 =	vmax.f32 v41, v40;
	v56 =	vmax.f32 v9, v24;
	v11 =	vmax.f32 v11, v33;
	s15 =	sadd.s32 $0x1, s15  }
0xe8: {  	v24 =	vmax.f32 v35, v42;
	v58 =	vmin.f32 v44, v45;
	v59 =	vmin.f32 v48, v46;
	p0 =	sne.s32 s15, $0x10  }
.Ltmp4:
0xe9: {  	v35 =	vmax.f32 v44, v45;
	v57 =	vmin.f32 v1, v6;
	v9 =	vmax.f32 v5, v49;
	(pc) =	sbr.rel @p0 .LBB2_2-.Ltmp4, $4  }
0xea: {  	v60 =	vmin.f32 v5, v49;
	v5 =	vmax.f32 v53, v59;
	v1 =	vmax.f32 v1, v6  }
0xeb: {  	v61 =	vmin.f32 v53, v59;
	v33 =	vmax.f32 v43, v58;
	v62 =	vmin.f32 v43, v58  }
0xec: {  	v6 =	vmax.f32 v56, v60;
	v0 =	vmax.f32 v0, v57;
	v63 =	vmin.f32 v1, v61  }
0xed: {  	v1 =	vmax.f32 v1, v61;
	v11 =	vmax.f32 v11, v62;
	v0 =	vmax.f32 v0, v63  }
0xee: {  	v18 =	vadd.f32 v18, v22;
	v47 =	vadd.f32 v36, v25  }
0xef: {  	v14 =	vadd.f32 v14, v23;
	v49 =	vadd.f32 v31, v38  }
0xf0: {  	v8 =	vadd.f32 v8, v15;
	v10 =	vadd.f32 v32, v10  }
0xf1: {  	v3 =	vadd.f32 v3, v24;
	v55 =	vadd.f32 v27, v34  }
0xf2: {  	v17 =	vadd.f32 v17, v18;
	v48 =	vadd.f32 v39, v47  }
0xf3: {  	v14 =	vadd.f32 v21, v14;
	v50 =	vadd.f32 v30, v49  }
0xf4: {  	v7 =	vadd.f32 v7, v8;
	v54 =	vadd.f32 v35, v10  }
0xf5: {  	v3 =	vadd.f32 v5, v3;
	v17 =	vadd.f32 v28, v17  }
0xf6: {  	v58 =	vadd.f32 v19, v55;
	v18 =	vadd.f32 v37, v48  }
0xf7: {  	v12 =	vadd.f32 v12, v14;
	v17 =	vadd.f32 v26, v17  }
0xf8: {  	v52 =	vadd.f32 v20, v50;
	v51 =	vadd.f32 v29, v18  }
0xf9: {  	v7 =	vadd.f32 v9, v7;
	v12 =	vadd.f32 v13, v12;
	v56 =	vmul.f32 $2.000000030e-01, v17  }
0xfa: {  	v8 =	vadd.f32 v33, v54;
	v53 =	vadd.f32 v16, v52;
	v57 =	vmul.f32 $2.000000030e-01, v51  }
0xfb: {  	v1 =	vadd.f32 v1, v3;
	v6 =	vadd.f32 v6, v7;
	v59 =	vmul.f32 $2.000000030e-01, v12;
	[tilespmem:$0x8000] =	vst v56  }
0xfc: {  	v4 =	vadd.f32 v4, v58;
	v61 =	vadd.f32 v11, v8;
	v60 =	vmul.f32 $2.000000030e-01, v53;
	[tilespmem:$0x8010] =	vst v57  }
0xfd: {  	v0 =	vadd.f32 v0, v1;
	v6 =	vmul.f32 $2.000000030e-01, v6;
	[tilespmem:$0x8020] =	vst v59  }
0xfe: {  	v2 =	vadd.f32 v2, v4;
	v62 =	vmul.f32 $2.000000030e-01, v61;
	[tilespmem:$0x8030] =	vst v60  }
0xff: {  	v0 =	vmul.f32 $2.000000030e-01, v0;
	[tilespmem:$0x8040] =	vst v6  }
0x100: {  	s14 =	sadd.s32 $0x1, s14;
	v63 =	vmul.f32 $2.000000030e-01, v2;
	[tilespmem:$0x8050] =	vst v62  }
0x101: {  	p0 =	sne.s32 s14, s8;
	[tilespmem:$0x8060] =	vst v0  }
.Ltmp5:
0x102: {  	[tilespmem:$0x8070] =	vst v63;
	(pc) =	sbr.rel @p0 .LBB2_1-.Ltmp5, $4  }
0x103: {  	[hbm4b:s7+s3] =	stream.linear.scatter [tilespmem:s12], [sflag:$0x3], $0x80, $0x38;
	[tilespmem:$0x8080] =	vst v63  }
0x104: {  	_ =	swait.ge [sflag:s13], $0x80  }
0x105: {  	[sflag:s13] =	ssyncset.done $0x0  }
0x106: {  	[sflag:s13] =	ssyncadd.s32 $0xFFFFFF80  }
0x107: {  	_ =	sfence.sel $0x180000  }
0x108: {  	[bflag:$0x0] =	sbarrier.arrive $0xFFFF  }
0x109: {  	p0 =	sne.s32 s2, $0x0;
	_ =	strace $0x90000047  }
0x10a: {  	s0 =	sadd.s32 @!p0 $0x100000, s0;
	[bflag:$0x2] =	sbarrier.arrive $0xFFFF  }
0x10b: {  	[sflag:s0] =	ssyncadd.tile.s32 @!p0 $0x1;
	_ =	shalt  }
.Lfunc_end2:
_tile_overlayer_lowered:
.L_overlay_start_2:
0x10c: {  	(tag) =	ssettag $0x2  }
0x10d: {  	s0 =	rddreg [dreg:$0x0];
	s2 =	stileid.u32  }
0x10e: {  	s1 =	rddreg [dreg:$0x1];
	p0 =	sne.s32 s2, $0x0  }
0x10f: {  	s3 =	rddreg [dreg:$0x2];
	[bflag:$0x3] =	sbarrier.arrive $0xFFFF;
	s2 =	simm.s32 @!p0 $0x1C03  }
0x110: {  	[timem:s3], [sflag:s2] =	dma.local @!p0 [hbm:s0], s1  }
0x111: {  	s0 =	simm.s32 @!p0 $0x3  }
0x112: {  	_ =	swait.ge @!p0 [sflag:s0], s1  }
0x113: {  	s1 =	ssub.s32 @!p0 $0x0, s1;
	[sflag:s0] =	ssyncset.done @!p0 $0x0  }
0x114: {  	[sflag:s0] =	ssyncadd.s32 @!p0 s1  }
0x115: {  	[bflag:$0x3] =	sbarrier.arrive $0xFFFF  }
0x116: {  	_ =	shalt  }

</sc_bundles>
